<compile_context>
chip_gen: v7x
topology: tpu7x:2x2x1
jax: 0.10.2.dev20260603
libtpu: 0.0.44.dev20260713+nightly
codegen_flags: <defaults>
</compile_context>

<pallas_src>
import functools

import jax
import jax.numpy as jnp
from jax import lax
from jax.experimental import pallas as pl
from jax.experimental.pallas import tpu as pltpu
from jax.experimental.pallas import tpu_sc as plsc

_B, _S, _D, _E = 4, 8192, 768, 64
_NW = 32
_SC_ROWS_PB = 1536
_TC_ROWS_PB = _S - _SC_ROWS_PB
_WPB = _NW // _B
_RPW = _SC_ROWS_PB // _WPB
_RCHUNK = 24
_NITER = _RPW // _RCHUNK
_NV = _D // 16
_NBUF = 4
_CHUNK_TC = 1664

_mesh = plsc.VectorSubcoreMesh(
    core_axis_name="c", subcore_axis_name="s", num_cores=2, num_subcores=16
)


@functools.partial(
    pl.kernel,
    out_type=jax.ShapeDtypeStruct((_NW, _D), jnp.float32),
    mesh=_mesh,
    scratch_types=[
        pltpu.VMEM((_NBUF, _RCHUNK * _D), jnp.float32),
        pltpu.VMEM((_D,), jnp.float32),
        pltpu.SemaphoreType.DMA,
        pltpu.SemaphoreType.DMA,
        pltpu.SemaphoreType.DMA,
        pltpu.SemaphoreType.DMA,
    ],
)
def _sc_mean(x_hbm, out_hbm, buf, accv, sem0, sem1, sem2, sem3):
    wid = lax.axis_index("s") * 2 + lax.axis_index("c")
    b = wid // _WPB
    k_in_b = wid % _WPB
    base = (b * _S + _TC_ROWS_PB + k_in_b * _RPW) * _D
    sems = (sem0, sem1, sem2, sem3)

    def dma(i, k):
        return pltpu.make_async_copy(
            x_hbm.at[pl.ds(base + i * (_RCHUNK * _D), _RCHUNK * _D)],
            buf.at[k],
            sems[k],
        )

    zero = jnp.zeros((16,), jnp.float32)
    for j in range(_NV):
        accv[pl.ds(j * 16, 16)] = zero

    zerov = jnp.zeros((16,), jnp.float32)

    def process(k):
        def jbody(j, c, k=k):
            off0 = j * 16
            accs = [accv[pl.ds(off0, 16)], zerov, zerov, zerov]
            for r in range(_RCHUNK):
                accs[r % 4] = accs[r % 4] + buf[k, pl.ds(off0 + r * _D, 16)]
            accv[pl.ds(off0, 16)] = (accs[0] + accs[1]) + (accs[2] + accs[3])
            return c

        lax.fori_loop(0, _NV, jbody, 0)

    for p in range(_NBUF - 1):
        dma(p, p).start()

    def outer(i4, carry):
        i = i4 * _NBUF
        for p in range(_NBUF):
            dma(i + p, p).wait()
            process(p)

            @pl.when(i + p + _NBUF - 1 < _NITER)
            def _(i=i, p=p):
                dma(i + p + _NBUF - 1, (p + _NBUF - 1) % _NBUF).start()

        return carry

    lax.fori_loop(0, _NITER // _NBUF, outer, 0)
    pltpu.sync_copy(accv, out_hbm.at[wid])


def _gate_tail(m, wh, bh, wo, bo):
    h = jnp.dot(m, wh, preferred_element_type=jnp.float32) + bh
    h = h * jax.nn.sigmoid(h)
    logits = jnp.dot(h, wo, preferred_element_type=jnp.float32) + bo
    iota = lax.broadcasted_iota(jnp.int32, logits.shape, 1)
    v1 = jnp.max(logits, axis=1, keepdims=True)
    i1 = jnp.min(jnp.where(logits == v1, iota, _E), axis=1, keepdims=True)
    masked = jnp.where(iota == i1, -jnp.inf, logits)
    v2 = jnp.max(masked, axis=1, keepdims=True)
    i2 = jnp.min(jnp.where(masked == v2, iota, _E), axis=1, keepdims=True)
    e2 = jnp.exp(v2 - v1)
    denom = 1.0 + e2
    w = jnp.concatenate([1.0 / denom, e2 / denom], axis=1)
    i = jnp.concatenate([i1, i2], axis=1)
    return w, i


def _tc_reduce_body(x_ref, o_ref):
    b = pl.program_id(0)
    c = pl.program_id(1)
    partial = jnp.sum(x_ref[0], axis=0, keepdims=True)

    @pl.when(c == 0)
    def _():
        o_ref[pl.ds(b, 1), :] = partial

    @pl.when(c > 0)
    def _():
        o_ref[pl.ds(b, 1), :] += partial


def _tail_body(a_ref, p_ref, wh_ref, bh_ref, wo_ref, bo_ref, w_ref, i_ref):
    p = p_ref[...]
    m = (a_ref[...] + jnp.sum(p.reshape(_B, _WPB, _D), axis=1)) * (1.0 / _S)
    w, i = _gate_tail(m, wh_ref[...], bh_ref[...], wo_ref[...], bo_ref[...])
    w_ref[...] = w
    i_ref[...] = i


def kernel(x, W_hidden, b_hidden, W_out, b_out):
    partials = _sc_mean(x.reshape(-1))
    acc_tc = pl.pallas_call(
        _tc_reduce_body,
        grid=(_B, _TC_ROWS_PB // _CHUNK_TC),
        in_specs=[pl.BlockSpec((1, _CHUNK_TC, _D), lambda b, c: (b, c, 0))],
        out_specs=pl.BlockSpec((_B, _D), lambda b, c: (0, 0)),
        out_shape=jax.ShapeDtypeStruct((_B, _D), jnp.float32),
    )(x)
    bh = b_hidden.reshape(1, _D)
    bo = b_out.reshape(1, _E)
    w, i = pl.pallas_call(
        _tail_body,
        out_shape=[
            jax.ShapeDtypeStruct((_B, 2), jnp.float32),
            jax.ShapeDtypeStruct((_B, 2), jnp.int32),
        ],
    )(acc_tc, partials, W_hidden, bh, W_out, bo)
    return w, i

# --- scband reference (transcript-rebuilt; emitter-appended) ---
"""Pipeline reference for scband-top-kgate-24532853195083 (READ-ONLY COPY).

The authoritative reference and input builder live on the scoring server;
editing this copy changes nothing except your own understanding.
"""

import jax, jax.numpy as jnp
import numpy as np

NUM_EXPERTS = 64
TOP_K = 2
B, S, D = 4, 8192, 768

def setup_inputs(seed: int = 0) -> dict:
    key = jax.random.key(seed)
    k_x, k_wh, k_bh, k_wo, k_bo = jax.random.split(key, 5)
    x = jax.random.normal(k_x, (B, S, D), dtype=jnp.float32)
    # flax Dense default init: lecun_normal kernel, zeros bias
    W_hidden = jax.random.normal(k_wh, (D, D), dtype=jnp.float32) / np.sqrt(D)
    b_hidden = jnp.zeros((D,), dtype=jnp.float32)
    W_out = jax.random.normal(k_wo, (D, NUM_EXPERTS), dtype=jnp.float32) / np.sqrt(D)
    b_out = jnp.zeros((NUM_EXPERTS,), dtype=jnp.float32)
    return {"x": x, "W_hidden": W_hidden, "b_hidden": b_hidden, "W_out": W_out, "b_out": b_out}

def reference(x, W_hidden, b_hidden, W_out, b_out):
    # routing at the sequence level: mean over seq dimension
    routing_input = jnp.mean(x, axis=1)                      # [B, D]
    gate_hidden = routing_input @ W_hidden + b_hidden        # [B, D]
    gate_hidden = jax.nn.silu(gate_hidden)
    logits = gate_hidden @ W_out + b_out                     # [B, E]
    top_k_logits, top_k_indices = jax.lax.top_k(logits, k=TOP_K)
    top_k_weights = jax.nn.softmax(top_k_logits, axis=-1)
    return (top_k_weights, top_k_indices)

if __name__ == "__main__":
    import jax
    _d = setup_inputs()
    print(jax.jit(kernel)(*tuple(_d.values())))

</pallas_src>

<mosaic_0001>
#map = affine_map<(d0, d1) -> (0)>
#map1 = affine_map<(d0, d1) -> (0, 0)>
module attributes {stable_mosaic.version = 14 : i64} {
  func.func @_sc_mean(%arg0: i32, %arg1: i32, %arg2: memref<25165824xf32, #tpu.memory_space<hbm>>, %arg3: memref<32x768xf32, #tpu.memory_space<hbm>>, %arg4: memref<4x18432xf32, #tpu.memory_space<vmem>>, %arg5: memref<768xf32, #tpu.memory_space<vmem>>, %arg6: memref<!tpu.dma_semaphore, #tpu.memory_space<semaphore_mem>>, %arg7: memref<!tpu.dma_semaphore, #tpu.memory_space<semaphore_mem>>, %arg8: memref<!tpu.dma_semaphore, #tpu.memory_space<semaphore_mem>>, %arg9: memref<!tpu.dma_semaphore, #tpu.memory_space<semaphore_mem>>) attributes {dimension_semantics = [#tpu.dimension_semantics<core_parallel>, #tpu.dimension_semantics<subcore_parallel>], iteration_bounds = array<i64: 2, 16>, scalar_prefetch = 0 : i64, scratch_operands = 6 : i64, tpu.core_type = #tpu.core_type<sc_vector_subcore>, window_params = [{transform_indices = #map}, {transform_indices = #map1}]} {
    %mul3A = arith.constant 2 : i32
    %mul3A_0 = arith.muli %arg1, %mul3A : i32
    %add3A = arith.addi %mul3A_0, %arg0 : i32
    %jit3A = arith.constant 8 : i32
    %div3A = arith.divsi %add3A, %jit3A : i32
    %sign3A = arith.constant 0 : i32
    %sign3A_1 = arith.cmpi sgt, %add3A, %sign3A : i32
    %sign3A_2 = arith.extui %sign3A_1 : i1 to i32
    %sign3A_3 = arith.constant 0 : i32
    %sign3A_4 = arith.cmpi slt, %add3A, %sign3A_3 : i32
    %sign3A_5 = arith.extui %sign3A_4 : i1 to i32
    %sign3A_6 = arith.subi %sign3A_2, %sign3A_5 : i32
    %sign3A_7 = arith.constant 0 : i32
    %sign3A_8 = arith.cmpi sgt, %jit3A, %sign3A_7 : i32
    %sign3A_9 = arith.extui %sign3A_8 : i1 to i32
    %sign3A_10 = arith.constant 0 : i32
    %sign3A_11 = arith.cmpi slt, %jit3A, %sign3A_10 : i32
    %sign3A_12 = arith.extui %sign3A_11 : i1 to i32
    %sign3A_13 = arith.subi %sign3A_9, %sign3A_12 : i32
    %ne3A = arith.cmpi ne, %sign3A_6, %sign3A_13 : i32
    %rem3A = arith.remsi %add3A, %jit3A : i32
    %ne3A_14 = arith.constant 0 : i32
    %ne3A_15 = arith.cmpi ne, %rem3A, %ne3A_14 : i32
    %and3A = arith.andi %ne3A, %ne3A_15 : i1
    %sub3A = arith.constant 1 : i32
    %sub3A_16 = arith.subi %div3A, %sub3A : i32
    %select_n3A = arith.select %and3A, %sub3A_16, %div3A : i32
    %jit3A_17 = arith.constant 8 : i32
    %eq3A = arith.constant 0 : i32
    %eq3A_18 = arith.cmpi eq, %jit3A_17, %eq3A : i32
    %jit3A_19 = arith.constant 1 : i32
    %select_n3A_20 = arith.select %eq3A_18, %jit3A_19, %jit3A_17 : i32
    %rem3A_21 = arith.remsi %add3A, %select_n3A_20 : i32
    %ne3A_22 = arith.constant 0 : i32
    %ne3A_23 = arith.cmpi ne, %rem3A_21, %ne3A_22 : i32
    %lt3A = arith.constant 0 : i32
    %lt3A_24 = arith.cmpi slt, %rem3A_21, %lt3A : i32
    %lt3A_25 = arith.constant 0 : i32
    %lt3A_26 = arith.cmpi slt, %select_n3A_20, %lt3A_25 : i32
    %ne3A_27 = arith.xori %lt3A_24, %lt3A_26 : i1
    %and3A_28 = arith.andi %ne3A_27, %ne3A_23 : i1
    %add3A_29 = arith.addi %rem3A_21, %select_n3A_20 : i32
    %select_n3A_30 = arith.select %and3A_28, %add3A_29, %rem3A_21 : i32
    %mul3A_31 = arith.constant 8192 : i32
    %mul3A_32 = arith.muli %select_n3A, %mul3A_31 : i32
    %add3A_33 = arith.constant 6656 : i32
    %add3A_34 = arith.addi %mul3A_32, %add3A_33 : i32
    %mul3A_35 = arith.constant 192 : i32
    %mul3A_36 = arith.muli %select_n3A_30, %mul3A_35 : i32
    %add3A_37 = arith.addi %add3A_34, %mul3A_36 : i32
    %mul3A_38 = arith.constant 768 : i32
    %mul3A_39 = arith.muli %add3A_37, %mul3A_38 : i32
    %broadcast_in_dim3A = arith.constant 0.000000e+00 : f32
    %broadcast_in_dim3A_40 = vector.broadcast %broadcast_in_dim3A : f32 to vector<16xf32>
    %swap3A = arith.constant 0 : index
    %swap3A_41 = tpu.vector_load %arg5[%swap3A] {strides = array<i32>} : memref<768xf32, #tpu.memory_space<vmem>>, vector<16xf32>,
    %swap3A_42 = vector.shape_cast %swap3A_41 : vector<16xf32> to vector<16xf32>
    %swap3A_43 = vector.shape_cast %broadcast_in_dim3A_40 : vector<16xf32> to vector<16xf32>
    tpu.vector_store %arg5[%swap3A], %swap3A_43 {strides = array<i32>} : memref<768xf32, #tpu.memory_space<vmem>>, vector<16xf32>,
    %swap3A_44 = arith.constant 16 : index
    %swap3A_45 = tpu.vector_load %arg5[%swap3A_44] {strides = array<i32>} : memref<768xf32, #tpu.memory_space<vmem>>, vector<16xf32>,
    %swap3A_46 = vector.shape_cast %swap3A_45 : vector<16xf32> to vector<16xf32>
    %swap3A_47 = vector.shape_cast %broadcast_in_dim3A_40 : vector<16xf32> to vector<16xf32>
    tpu.vector_store %arg5[%swap3A_44], %swap3A_47 {strides = array<i32>} : memref<768xf32, #tpu.memory_space<vmem>>, vector<16xf32>,
    %swap3A_48 = arith.constant 32 : index
    %swap3A_49 = tpu.vector_load %arg5[%swap3A_48] {strides = array<i32>} : memref<768xf32, #tpu.memory_space<vmem>>, vector<16xf32>,
    %swap3A_50 = vector.shape_cast %swap3A_49 : vector<16xf32> to vector<16xf32>
    %swap3A_51 = vector.shape_cast %broadcast_in_dim3A_40 : vector<16xf32> to vector<16xf32>
    tpu.vector_store %arg5[%swap3A_48], %swap3A_51 {strides = array<i32>} : memref<768xf32, #tpu.memory_space<vmem>>, vector<16xf32>,
    %swap3A_52 = arith.constant 48 : index
    %swap3A_53 = tpu.vector_load %arg5[%swap3A_52] {strides = array<i32>} : memref<768xf32, #tpu.memory_space<vmem>>, vector<16xf32>,
    %swap3A_54 = vector.shape_cast %swap3A_53 : vector<16xf32> to vector<16xf32>
    %swap3A_55 = vector.shape_cast %broadcast_in_dim3A_40 : vector<16xf32> to vector<16xf32>
    tpu.vector_store %arg5[%swap3A_52], %swap3A_55 {strides = array<i32>} : memref<768xf32, #tpu.memory_space<vmem>>, vector<16xf32>,
    %swap3A_56 = arith.constant 64 : index
    %swap3A_57 = tpu.vector_load %arg5[%swap3A_56] {strides = array<i32>} : memref<768xf32, #tpu.memory_space<vmem>>, vector<16xf32>,
    %swap3A_58 = vector.shape_cast %swap3A_57 : vector<16xf32> to vector<16xf32>
    %swap3A_59 = vector.shape_cast %broadcast_in_dim3A_40 : vector<16xf32> to vector<16xf32>
    tpu.vector_store %arg5[%swap3A_56], %swap3A_59 {strides = array<i32>} : memref<768xf32, #tpu.memory_space<vmem>>, vector<16xf32>,
    %swap3A_60 = arith.constant 80 : index
    %swap3A_61 = tpu.vector_load %arg5[%swap3A_60] {strides = array<i32>} : memref<768xf32, #tpu.memory_space<vmem>>, vector<16xf32>,
    %swap3A_62 = vector.shape_cast %swap3A_61 : vector<16xf32> to vector<16xf32>
    %swap3A_63 = vector.shape_cast %broadcast_in_dim3A_40 : vector<16xf32> to vector<16xf32>
    tpu.vector_store %arg5[%swap3A_60], %swap3A_63 {strides = array<i32>} : memref<768xf32, #tpu.memory_space<vmem>>, vector<16xf32>,
    %swap3A_64 = arith.constant 96 : index
    %swap3A_65 = tpu.vector_load %arg5[%swap3A_64] {strides = array<i32>} : memref<768xf32, #tpu.memory_space<vmem>>, vector<16xf32>,
    %swap3A_66 = vector.shape_cast %swap3A_65 : vector<16xf32> to vector<16xf32>
    %swap3A_67 = vector.shape_cast %broadcast_in_dim3A_40 : vector<16xf32> to vector<16xf32>
    tpu.vector_store %arg5[%swap3A_64], %swap3A_67 {strides = array<i32>} : memref<768xf32, #tpu.memory_space<vmem>>, vector<16xf32>,
    %swap3A_68 = arith.constant 112 : index
    %swap3A_69 = tpu.vector_load %arg5[%swap3A_68] {strides = array<i32>} : memref<768xf32, #tpu.memory_space<vmem>>, vector<16xf32>,
    %swap3A_70 = vector.shape_cast %swap3A_69 : vector<16xf32> to vector<16xf32>
    %swap3A_71 = vector.shape_cast %broadcast_in_dim3A_40 : vector<16xf32> to vector<16xf32>
    tpu.vector_store %arg5[%swap3A_68], %swap3A_71 {strides = array<i32>} : memref<768xf32, #tpu.memory_space<vmem>>, vector<16xf32>,
    %swap3A_72 = arith.constant 128 : index
    %swap3A_73 = tpu.vector_load %arg5[%swap3A_72] {strides = array<i32>} : memref<768xf32, #tpu.memory_space<vmem>>, vector<16xf32>,
    %swap3A_74 = vector.shape_cast %swap3A_73 : vector<16xf32> to vector<16xf32>
    %swap3A_75 = vector.shape_cast %broadcast_in_dim3A_40 : vector<16xf32> to vector<16xf32>
    tpu.vector_store %arg5[%swap3A_72], %swap3A_75 {strides = array<i32>} : memref<768xf32, #tpu.memory_space<vmem>>, vector<16xf32>,
    %swap3A_76 = arith.constant 144 : index
    %swap3A_77 = tpu.vector_load %arg5[%swap3A_76] {strides = array<i32>} : memref<768xf32, #tpu.memory_space<vmem>>, vector<16xf32>,
    %swap3A_78 = vector.shape_cast %swap3A_77 : vector<16xf32> to vector<16xf32>
    %swap3A_79 = vector.shape_cast %broadcast_in_dim3A_40 : vector<16xf32> to vector<16xf32>
    tpu.vector_store %arg5[%swap3A_76], %swap3A_79 {strides = array<i32>} : memref<768xf32, #tpu.memory_space<vmem>>, vector<16xf32>,
    %swap3A_80 = arith.constant 160 : index
    %swap3A_81 = tpu.vector_load %arg5[%swap3A_80] {strides = array<i32>} : memref<768xf32, #tpu.memory_space<vmem>>, vector<16xf32>,
    %swap3A_82 = vector.shape_cast %swap3A_81 : vector<16xf32> to vector<16xf32>
    %swap3A_83 = vector.shape_cast %broadcast_in_dim3A_40 : vector<16xf32> to vector<16xf32>
    tpu.vector_store %arg5[%swap3A_80], %swap3A_83 {strides = array<i32>} : memref<768xf32, #tpu.memory_space<vmem>>, vector<16xf32>,
    %swap3A_84 = arith.constant 176 : index
    %swap3A_85 = tpu.vector_load %arg5[%swap3A_84] {strides = array<i32>} : memref<768xf32, #tpu.memory_space<vmem>>, vector<16xf32>,
    %swap3A_86 = vector.shape_cast %swap3A_85 : vector<16xf32> to vector<16xf32>
    %swap3A_87 = vector.shape_cast %broadcast_in_dim3A_40 : vector<16xf32> to vector<16xf32>
    tpu.vector_store %arg5[%swap3A_84], %swap3A_87 {strides = array<i32>} : memref<768xf32, #tpu.memory_space<vmem>>, vector<16xf32>,
    %swap3A_88 = arith.constant 192 : index
    %swap3A_89 = tpu.vector_load %arg5[%swap3A_88] {strides = array<i32>} : memref<768xf32, #tpu.memory_space<vmem>>, vector<16xf32>,
    %swap3A_90 = vector.shape_cast %swap3A_89 : vector<16xf32> to vector<16xf32>
    %swap3A_91 = vector.shape_cast %broadcast_in_dim3A_40 : vector<16xf32> to vector<16xf32>
    tpu.vector_store %arg5[%swap3A_88], %swap3A_91 {strides = array<i32>} : memref<768xf32, #tpu.memory_space<vmem>>, vector<16xf32>,
    %swap3A_92 = arith.constant 208 : index
    %swap3A_93 = tpu.vector_load %arg5[%swap3A_92] {strides = array<i32>} : memref<768xf32, #tpu.memory_space<vmem>>, vector<16xf32>,
    %swap3A_94 = vector.shape_cast %swap3A_93 : vector<16xf32> to vector<16xf32>
    %swap3A_95 = vector.shape_cast %broadcast_in_dim3A_40 : vector<16xf32> to vector<16xf32>
    tpu.vector_store %arg5[%swap3A_92], %swap3A_95 {strides = array<i32>} : memref<768xf32, #tpu.memory_space<vmem>>, vector<16xf32>,
    %swap3A_96 = arith.constant 224 : index
    %swap3A_97 = tpu.vector_load %arg5[%swap3A_96] {strides = array<i32>} : memref<768xf32, #tpu.memory_space<vmem>>, vector<16xf32>,
    %swap3A_98 = vector.shape_cast %swap3A_97 : vector<16xf32> to vector<16xf32>
    %swap3A_99 = vector.shape_cast %broadcast_in_dim3A_40 : vector<16xf32> to vector<16xf32>
    tpu.vector_store %arg5[%swap3A_96], %swap3A_99 {strides = array<i32>} : memref<768xf32, #tpu.memory_space<vmem>>, vector<16xf32>,
    %swap3A_100 = arith.constant 240 : index
    %swap3A_101 = tpu.vector_load %arg5[%swap3A_100] {strides = array<i32>} : memref<768xf32, #tpu.memory_space<vmem>>, vector<16xf32>,
    %swap3A_102 = vector.shape_cast %swap3A_101 : vector<16xf32> to vector<16xf32>
    %swap3A_103 = vector.shape_cast %broadcast_in_dim3A_40 : vector<16xf32> to vector<16xf32>
    tpu.vector_store %arg5[%swap3A_100], %swap3A_103 {strides = array<i32>} : memref<768xf32, #tpu.memory_space<vmem>>, vector<16xf32>,
    %swap3A_104 = arith.constant 256 : index
    %swap3A_105 = tpu.vector_load %arg5[%swap3A_104] {strides = array<i32>} : memref<768xf32, #tpu.memory_space<vmem>>, vector<16xf32>,
    %swap3A_106 = vector.shape_cast %swap3A_105 : vector<16xf32> to vector<16xf32>
    %swap3A_107 = vector.shape_cast %broadcast_in_dim3A_40 : vector<16xf32> to vector<16xf32>
    tpu.vector_store %arg5[%swap3A_104], %swap3A_107 {strides = array<i32>} : memref<768xf32, #tpu.memory_space<vmem>>, vector<16xf32>,
    %swap3A_108 = arith.constant 272 : index
    %swap3A_109 = tpu.vector_load %arg5[%swap3A_108] {strides = array<i32>} : memref<768xf32, #tpu.memory_space<vmem>>, vector<16xf32>,
    %swap3A_110 = vector.shape_cast %swap3A_109 : vector<16xf32> to vector<16xf32>
    %swap3A_111 = vector.shape_cast %broadcast_in_dim3A_40 : vector<16xf32> to vector<16xf32>
    tpu.vector_store %arg5[%swap3A_108], %swap3A_111 {strides = array<i32>} : memref<768xf32, #tpu.memory_space<vmem>>, vector<16xf32>,
    %swap3A_112 = arith.constant 288 : index
    %swap3A_113 = tpu.vector_load %arg5[%swap3A_112] {strides = array<i32>} : memref<768xf32, #tpu.memory_space<vmem>>, vector<16xf32>,
    %swap3A_114 = vector.shape_cast %swap3A_113 : vector<16xf32> to vector<16xf32>
    %swap3A_115 = vector.shape_cast %broadcast_in_dim3A_40 : vector<16xf32> to vector<16xf32>
    tpu.vector_store %arg5[%swap3A_112], %swap3A_115 {strides = array<i32>} : memref<768xf32, #tpu.memory_space<vmem>>, vector<16xf32>,
    %swap3A_116 = arith.constant 304 : index
    %swap3A_117 = tpu.vector_load %arg5[%swap3A_116] {strides = array<i32>} : memref<768xf32, #tpu.memory_space<vmem>>, vector<16xf32>,
    %swap3A_118 = vector.shape_cast %swap3A_117 : vector<16xf32> to vector<16xf32>
    %swap3A_119 = vector.shape_cast %broadcast_in_dim3A_40 : vector<16xf32> to vector<16xf32>
    tpu.vector_store %arg5[%swap3A_116], %swap3A_119 {strides = array<i32>} : memref<768xf32, #tpu.memory_space<vmem>>, vector<16xf32>,
    %swap3A_120 = arith.constant 320 : index
    %swap3A_121 = tpu.vector_load %arg5[%swap3A_120] {strides = array<i32>} : memref<768xf32, #tpu.memory_space<vmem>>, vector<16xf32>,
    %swap3A_122 = vector.shape_cast %swap3A_121 : vector<16xf32> to vector<16xf32>
    %swap3A_123 = vector.shape_cast %broadcast_in_dim3A_40 : vector<16xf32> to vector<16xf32>
    tpu.vector_store %arg5[%swap3A_120], %swap3A_123 {strides = array<i32>} : memref<768xf32, #tpu.memory_space<vmem>>, vector<16xf32>,
    %swap3A_124 = arith.constant 336 : index
    %swap3A_125 = tpu.vector_load %arg5[%swap3A_124] {strides = array<i32>} : memref<768xf32, #tpu.memory_space<vmem>>, vector<16xf32>,
    %swap3A_126 = vector.shape_cast %swap3A_125 : vector<16xf32> to vector<16xf32>
    %swap3A_127 = vector.shape_cast %broadcast_in_dim3A_40 : vector<16xf32> to vector<16xf32>
    tpu.vector_store %arg5[%swap3A_124], %swap3A_127 {strides = array<i32>} : memref<768xf32, #tpu.memory_space<vmem>>, vector<16xf32>,
    %swap3A_128 = arith.constant 352 : index
    %swap3A_129 = tpu.vector_load %arg5[%swap3A_128] {strides = array<i32>} : memref<768xf32, #tpu.memory_space<vmem>>, vector<16xf32>,
    %swap3A_130 = vector.shape_cast %swap3A_129 : vector<16xf32> to vector<16xf32>
    %swap3A_131 = vector.shape_cast %broadcast_in_dim3A_40 : vector<16xf32> to vector<16xf32>
    tpu.vector_store %arg5[%swap3A_128], %swap3A_131 {strides = array<i32>} : memref<768xf32, #tpu.memory_space<vmem>>, vector<16xf32>,
    %swap3A_132 = arith.constant 368 : index
    %swap3A_133 = tpu.vector_load %arg5[%swap3A_132] {strides = array<i32>} : memref<768xf32, #tpu.memory_space<vmem>>, vector<16xf32>,
    %swap3A_134 = vector.shape_cast %swap3A_133 : vector<16xf32> to vector<16xf32>
    %swap3A_135 = vector.shape_cast %broadcast_in_dim3A_40 : vector<16xf32> to vector<16xf32>
    tpu.vector_store %arg5[%swap3A_132], %swap3A_135 {strides = array<i32>} : memref<768xf32, #tpu.memory_space<vmem>>, vector<16xf32>,
    %swap3A_136 = arith.constant 384 : index
    %swap3A_137 = tpu.vector_load %arg5[%swap3A_136] {strides = array<i32>} : memref<768xf32, #tpu.memory_space<vmem>>, vector<16xf32>,
    %swap3A_138 = vector.shape_cast %swap3A_137 : vector<16xf32> to vector<16xf32>
    %swap3A_139 = vector.shape_cast %broadcast_in_dim3A_40 : vector<16xf32> to vector<16xf32>
    tpu.vector_store %arg5[%swap3A_136], %swap3A_139 {strides = array<i32>} : memref<768xf32, #tpu.memory_space<vmem>>, vector<16xf32>,
    %swap3A_140 = arith.constant 400 : index
    %swap3A_141 = tpu.vector_load %arg5[%swap3A_140] {strides = array<i32>} : memref<768xf32, #tpu.memory_space<vmem>>, vector<16xf32>,
    %swap3A_142 = vector.shape_cast %swap3A_141 : vector<16xf32> to vector<16xf32>
    %swap3A_143 = vector.shape_cast %broadcast_in_dim3A_40 : vector<16xf32> to vector<16xf32>
    tpu.vector_store %arg5[%swap3A_140], %swap3A_143 {strides = array<i32>} : memref<768xf32, #tpu.memory_space<vmem>>, vector<16xf32>,
    %swap3A_144 = arith.constant 416 : index
    %swap3A_145 = tpu.vector_load %arg5[%swap3A_144] {strides = array<i32>} : memref<768xf32, #tpu.memory_space<vmem>>, vector<16xf32>,
    %swap3A_146 = vector.shape_cast %swap3A_145 : vector<16xf32> to vector<16xf32>
    %swap3A_147 = vector.shape_cast %broadcast_in_dim3A_40 : vector<16xf32> to vector<16xf32>
    tpu.vector_store %arg5[%swap3A_144], %swap3A_147 {strides = array<i32>} : memref<768xf32, #tpu.memory_space<vmem>>, vector<16xf32>,
    %swap3A_148 = arith.constant 432 : index
    %swap3A_149 = tpu.vector_load %arg5[%swap3A_148] {strides = array<i32>} : memref<768xf32, #tpu.memory_space<vmem>>, vector<16xf32>,
    %swap3A_150 = vector.shape_cast %swap3A_149 : vector<16xf32> to vector<16xf32>
    %swap3A_151 = vector.shape_cast %broadcast_in_dim3A_40 : vector<16xf32> to vector<16xf32>
    tpu.vector_store %arg5[%swap3A_148], %swap3A_151 {strides = array<i32>} : memref<768xf32, #tpu.memory_space<vmem>>, vector<16xf32>,
    %swap3A_152 = arith.constant 448 : index
    %swap3A_153 = tpu.vector_load %arg5[%swap3A_152] {strides = array<i32>} : memref<768xf32, #tpu.memory_space<vmem>>, vector<16xf32>,
    %swap3A_154 = vector.shape_cast %swap3A_153 : vector<16xf32> to vector<16xf32>
    %swap3A_155 = vector.shape_cast %broadcast_in_dim3A_40 : vector<16xf32> to vector<16xf32>
    tpu.vector_store %arg5[%swap3A_152], %swap3A_155 {strides = array<i32>} : memref<768xf32, #tpu.memory_space<vmem>>, vector<16xf32>,
    %swap3A_156 = arith.constant 464 : index
    %swap3A_157 = tpu.vector_load %arg5[%swap3A_156] {strides = array<i32>} : memref<768xf32, #tpu.memory_space<vmem>>, vector<16xf32>,
    %swap3A_158 = vector.shape_cast %swap3A_157 : vector<16xf32> to vector<16xf32>
    %swap3A_159 = vector.shape_cast %broadcast_in_dim3A_40 : vector<16xf32> to vector<16xf32>
    tpu.vector_store %arg5[%swap3A_156], %swap3A_159 {strides = array<i32>} : memref<768xf32, #tpu.memory_space<vmem>>, vector<16xf32>,
    %swap3A_160 = arith.constant 480 : index
    %swap3A_161 = tpu.vector_load %arg5[%swap3A_160] {strides = array<i32>} : memref<768xf32, #tpu.memory_space<vmem>>, vector<16xf32>,
    %swap3A_162 = vector.shape_cast %swap3A_161 : vector<16xf32> to vector<16xf32>
    %swap3A_163 = vector.shape_cast %broadcast_in_dim3A_40 : vector<16xf32> to vector<16xf32>
    tpu.vector_store %arg5[%swap3A_160], %swap3A_163 {strides = array<i32>} : memref<768xf32, #tpu.memory_space<vmem>>, vector<16xf32>,
    %swap3A_164 = arith.constant 496 : index
    %swap3A_165 = tpu.vector_load %arg5[%swap3A_164] {strides = array<i32>} : memref<768xf32, #tpu.memory_space<vmem>>, vector<16xf32>,
    %swap3A_166 = vector.shape_cast %swap3A_165 : vector<16xf32> to vector<16xf32>
    %swap3A_167 = vector.shape_cast %broadcast_in_dim3A_40 : vector<16xf32> to vector<16xf32>
    tpu.vector_store %arg5[%swap3A_164], %swap3A_167 {strides = array<i32>} : memref<768xf32, #tpu.memory_space<vmem>>, vector<16xf32>,
    %swap3A_168 = arith.constant 512 : index
    %swap3A_169 = tpu.vector_load %arg5[%swap3A_168] {strides = array<i32>} : memref<768xf32, #tpu.memory_space<vmem>>, vector<16xf32>,
    %swap3A_170 = vector.shape_cast %swap3A_169 : vector<16xf32> to vector<16xf32>
    %swap3A_171 = vector.shape_cast %broadcast_in_dim3A_40 : vector<16xf32> to vector<16xf32>
    tpu.vector_store %arg5[%swap3A_168], %swap3A_171 {strides = array<i32>} : memref<768xf32, #tpu.memory_space<vmem>>, vector<16xf32>,
    %swap3A_172 = arith.constant 528 : index
    %swap3A_173 = tpu.vector_load %arg5[%swap3A_172] {strides = array<i32>} : memref<768xf32, #tpu.memory_space<vmem>>, vector<16xf32>,
    %swap3A_174 = vector.shape_cast %swap3A_173 : vector<16xf32> to vector<16xf32>
    %swap3A_175 = vector.shape_cast %broadcast_in_dim3A_40 : vector<16xf32> to vector<16xf32>
    tpu.vector_store %arg5[%swap3A_172], %swap3A_175 {strides = array<i32>} : memref<768xf32, #tpu.memory_space<vmem>>, vector<16xf32>,
    %swap3A_176 = arith.constant 544 : index
    %swap3A_177 = tpu.vector_load %arg5[%swap3A_176] {strides = array<i32>} : memref<768xf32, #tpu.memory_space<vmem>>, vector<16xf32>,
    %swap3A_178 = vector.shape_cast %swap3A_177 : vector<16xf32> to vector<16xf32>
    %swap3A_179 = vector.shape_cast %broadcast_in_dim3A_40 : vector<16xf32> to vector<16xf32>
    tpu.vector_store %arg5[%swap3A_176], %swap3A_179 {strides = array<i32>} : memref<768xf32, #tpu.memory_space<vmem>>, vector<16xf32>,
    %swap3A_180 = arith.constant 560 : index
    %swap3A_181 = tpu.vector_load %arg5[%swap3A_180] {strides = array<i32>} : memref<768xf32, #tpu.memory_space<vmem>>, vector<16xf32>,
    %swap3A_182 = vector.shape_cast %swap3A_181 : vector<16xf32> to vector<16xf32>
    %swap3A_183 = vector.shape_cast %broadcast_in_dim3A_40 : vector<16xf32> to vector<16xf32>
    tpu.vector_store %arg5[%swap3A_180], %swap3A_183 {strides = array<i32>} : memref<768xf32, #tpu.memory_space<vmem>>, vector<16xf32>,
    %swap3A_184 = arith.constant 576 : index
    %swap3A_185 = tpu.vector_load %arg5[%swap3A_184] {strides = array<i32>} : memref<768xf32, #tpu.memory_space<vmem>>, vector<16xf32>,
    %swap3A_186 = vector.shape_cast %swap3A_185 : vector<16xf32> to vector<16xf32>
    %swap3A_187 = vector.shape_cast %broadcast_in_dim3A_40 : vector<16xf32> to vector<16xf32>
    tpu.vector_store %arg5[%swap3A_184], %swap3A_187 {strides = array<i32>} : memref<768xf32, #tpu.memory_space<vmem>>, vector<16xf32>,
    %swap3A_188 = arith.constant 592 : index
    %swap3A_189 = tpu.vector_load %arg5[%swap3A_188] {strides = array<i32>} : memref<768xf32, #tpu.memory_space<vmem>>, vector<16xf32>,
    %swap3A_190 = vector.shape_cast %swap3A_189 : vector<16xf32> to vector<16xf32>
    %swap3A_191 = vector.shape_cast %broadcast_in_dim3A_40 : vector<16xf32> to vector<16xf32>
    tpu.vector_store %arg5[%swap3A_188], %swap3A_191 {strides = array<i32>} : memref<768xf32, #tpu.memory_space<vmem>>, vector<16xf32>,
    %swap3A_192 = arith.constant 608 : index
    %swap3A_193 = tpu.vector_load %arg5[%swap3A_192] {strides = array<i32>} : memref<768xf32, #tpu.memory_space<vmem>>, vector<16xf32>,
    %swap3A_194 = vector.shape_cast %swap3A_193 : vector<16xf32> to vector<16xf32>
    %swap3A_195 = vector.shape_cast %broadcast_in_dim3A_40 : vector<16xf32> to vector<16xf32>
    tpu.vector_store %arg5[%swap3A_192], %swap3A_195 {strides = array<i32>} : memref<768xf32, #tpu.memory_space<vmem>>, vector<16xf32>,
    %swap3A_196 = arith.constant 624 : index
    %swap3A_197 = tpu.vector_load %arg5[%swap3A_196] {strides = array<i32>} : memref<768xf32, #tpu.memory_space<vmem>>, vector<16xf32>,
    %swap3A_198 = vector.shape_cast %swap3A_197 : vector<16xf32> to vector<16xf32>
    %swap3A_199 = vector.shape_cast %broadcast_in_dim3A_40 : vector<16xf32> to vector<16xf32>
    tpu.vector_store %arg5[%swap3A_196], %swap3A_199 {strides = array<i32>} : memref<768xf32, #tpu.memory_space<vmem>>, vector<16xf32>,
    %swap3A_200 = arith.constant 640 : index
    %swap3A_201 = tpu.vector_load %arg5[%swap3A_200] {strides = array<i32>} : memref<768xf32, #tpu.memory_space<vmem>>, vector<16xf32>,
    %swap3A_202 = vector.shape_cast %swap3A_201 : vector<16xf32> to vector<16xf32>
    %swap3A_203 = vector.shape_cast %broadcast_in_dim3A_40 : vector<16xf32> to vector<16xf32>
    tpu.vector_store %arg5[%swap3A_200], %swap3A_203 {strides = array<i32>} : memref<768xf32, #tpu.memory_space<vmem>>, vector<16xf32>,
    %swap3A_204 = arith.constant 656 : index
    %swap3A_205 = tpu.vector_load %arg5[%swap3A_204] {strides = array<i32>} : memref<768xf32, #tpu.memory_space<vmem>>, vector<16xf32>,
    %swap3A_206 = vector.shape_cast %swap3A_205 : vector<16xf32> to vector<16xf32>
    %swap3A_207 = vector.shape_cast %broadcast_in_dim3A_40 : vector<16xf32> to vector<16xf32>
    tpu.vector_store %arg5[%swap3A_204], %swap3A_207 {strides = array<i32>} : memref<768xf32, #tpu.memory_space<vmem>>, vector<16xf32>,
    %swap3A_208 = arith.constant 672 : index
    %swap3A_209 = tpu.vector_load %arg5[%swap3A_208] {strides = array<i32>} : memref<768xf32, #tpu.memory_space<vmem>>, vector<16xf32>,
    %swap3A_210 = vector.shape_cast %swap3A_209 : vector<16xf32> to vector<16xf32>
    %swap3A_211 = vector.shape_cast %broadcast_in_dim3A_40 : vector<16xf32> to vector<16xf32>
    tpu.vector_store %arg5[%swap3A_208], %swap3A_211 {strides = array<i32>} : memref<768xf32, #tpu.memory_space<vmem>>, vector<16xf32>,
    %swap3A_212 = arith.constant 688 : index
    %swap3A_213 = tpu.vector_load %arg5[%swap3A_212] {strides = array<i32>} : memref<768xf32, #tpu.memory_space<vmem>>, vector<16xf32>,
    %swap3A_214 = vector.shape_cast %swap3A_213 : vector<16xf32> to vector<16xf32>
    %swap3A_215 = vector.shape_cast %broadcast_in_dim3A_40 : vector<16xf32> to vector<16xf32>
    tpu.vector_store %arg5[%swap3A_212], %swap3A_215 {strides = array<i32>} : memref<768xf32, #tpu.memory_space<vmem>>, vector<16xf32>,
    %swap3A_216 = arith.constant 704 : index
    %swap3A_217 = tpu.vector_load %arg5[%swap3A_216] {strides = array<i32>} : memref<768xf32, #tpu.memory_space<vmem>>, vector<16xf32>,
    %swap3A_218 = vector.shape_cast %swap3A_217 : vector<16xf32> to vector<16xf32>
    %swap3A_219 = vector.shape_cast %broadcast_in_dim3A_40 : vector<16xf32> to vector<16xf32>
    tpu.vector_store %arg5[%swap3A_216], %swap3A_219 {strides = array<i32>} : memref<768xf32, #tpu.memory_space<vmem>>, vector<16xf32>,
    %swap3A_220 = arith.constant 720 : index
    %swap3A_221 = tpu.vector_load %arg5[%swap3A_220] {strides = array<i32>} : memref<768xf32, #tpu.memory_space<vmem>>, vector<16xf32>,
    %swap3A_222 = vector.shape_cast %swap3A_221 : vector<16xf32> to vector<16xf32>
    %swap3A_223 = vector.shape_cast %broadcast_in_dim3A_40 : vector<16xf32> to vector<16xf32>
    tpu.vector_store %arg5[%swap3A_220], %swap3A_223 {strides = array<i32>} : memref<768xf32, #tpu.memory_space<vmem>>, vector<16xf32>,
    %swap3A_224 = arith.constant 736 : index
    %swap3A_225 = tpu.vector_load %arg5[%swap3A_224] {strides = array<i32>} : memref<768xf32, #tpu.memory_space<vmem>>, vector<16xf32>,
    %swap3A_226 = vector.shape_cast %swap3A_225 : vector<16xf32> to vector<16xf32>
    %swap3A_227 = vector.shape_cast %broadcast_in_dim3A_40 : vector<16xf32> to vector<16xf32>
    tpu.vector_store %arg5[%swap3A_224], %swap3A_227 {strides = array<i32>} : memref<768xf32, #tpu.memory_space<vmem>>, vector<16xf32>,
    %swap3A_228 = arith.constant 752 : index
    %swap3A_229 = tpu.vector_load %arg5[%swap3A_228] {strides = array<i32>} : memref<768xf32, #tpu.memory_space<vmem>>, vector<16xf32>,
    %swap3A_230 = vector.shape_cast %swap3A_229 : vector<16xf32> to vector<16xf32>
    %swap3A_231 = vector.shape_cast %broadcast_in_dim3A_40 : vector<16xf32> to vector<16xf32>
    tpu.vector_store %arg5[%swap3A_228], %swap3A_231 {strides = array<i32>} : memref<768xf32, #tpu.memory_space<vmem>>, vector<16xf32>,
    %broadcast_in_dim3A_232 = arith.constant 0.000000e+00 : f32
    %broadcast_in_dim3A_233 = vector.broadcast %broadcast_in_dim3A_232 : f32 to vector<16xf32>
    %add3A_234 = arith.constant 0 : i32
    %add3A_235 = arith.addi %mul3A_39, %add3A_234 : i32
    %dma_start3A = arith.constant 0 : i32
    %dma_start3A_236 = arith.constant 0 : i32
    %dma_start3A_237 = tpu.memref_slice %arg4[%dma_start3A, %dma_start3A_236] : memref<4x18432xf32, #tpu.memory_space<vmem>> -> memref<1x18432xf32, #tpu.memory_space<vmem>>
    %dma_start3A_238 = tpu.memref_squeeze %dma_start3A_237 : memref<1x18432xf32, #tpu.memory_space<vmem>> -> memref<18432xf32, #tpu.memory_space<vmem>>
    %dma_start3A_239 = tpu.memref_slice %arg2[%add3A_235] : memref<25165824xf32, #tpu.memory_space<hbm>> -> memref<18432xf32, #tpu.memory_space<hbm>>
    %dma_start3A_240 = arith.constant 0 : i32
    %dma_start3A_241 = tpu.memref_slice %arg4[%dma_start3A, %dma_start3A_240] : memref<4x18432xf32, #tpu.memory_space<vmem>> -> memref<1x18432xf32, #tpu.memory_space<vmem>>
    %dma_start3A_242 = tpu.memref_squeeze %dma_start3A_241 : memref<1x18432xf32, #tpu.memory_space<vmem>> -> memref<18432xf32, #tpu.memory_space<vmem>>
    %dma_start3A_243 = tpu.memref_slice %arg2[%add3A_235] : memref<25165824xf32, #tpu.memory_space<hbm>> -> memref<18432xf32, #tpu.memory_space<hbm>>
    tpu.enqueue_dma source(%dma_start3A_243 : memref<18432xf32, #tpu.memory_space<hbm>>) target(%dma_start3A_242 : memref<18432xf32, #tpu.memory_space<vmem>>) target_semaphore(%arg6 : memref<!tpu.dma_semaphore, #tpu.memory_space<semaphore_mem>>)
    %add3A_244 = arith.constant 18432 : i32
    %add3A_245 = arith.addi %mul3A_39, %add3A_244 : i32
    %dma_start3A_246 = arith.constant 1 : i32
    %dma_start3A_247 = arith.constant 0 : i32
    %dma_start3A_248 = tpu.memref_slice %arg4[%dma_start3A_246, %dma_start3A_247] : memref<4x18432xf32, #tpu.memory_space<vmem>> -> memref<1x18432xf32, #tpu.memory_space<vmem>>
    %dma_start3A_249 = tpu.memref_squeeze %dma_start3A_248 : memref<1x18432xf32, #tpu.memory_space<vmem>> -> memref<18432xf32, #tpu.memory_space<vmem>>
    %dma_start3A_250 = tpu.memref_slice %arg2[%add3A_245] : memref<25165824xf32, #tpu.memory_space<hbm>> -> memref<18432xf32, #tpu.memory_space<hbm>>
    %dma_start3A_251 = arith.constant 0 : i32
    %dma_start3A_252 = tpu.memref_slice %arg4[%dma_start3A_246, %dma_start3A_251] : memref<4x18432xf32, #tpu.memory_space<vmem>> -> memref<1x18432xf32, #tpu.memory_space<vmem>>
    %dma_start3A_253 = tpu.memref_squeeze %dma_start3A_252 : memref<1x18432xf32, #tpu.memory_space<vmem>> -> memref<18432xf32, #tpu.memory_space<vmem>>
    %dma_start3A_254 = tpu.memref_slice %arg2[%add3A_245] : memref<25165824xf32, #tpu.memory_space<hbm>> -> memref<18432xf32, #tpu.memory_space<hbm>>
    tpu.enqueue_dma source(%dma_start3A_254 : memref<18432xf32, #tpu.memory_space<hbm>>) target(%dma_start3A_253 : memref<18432xf32, #tpu.memory_space<vmem>>) target_semaphore(%arg7 : memref<!tpu.dma_semaphore, #tpu.memory_space<semaphore_mem>>)
    %add3A_255 = arith.constant 36864 : i32
    %add3A_256 = arith.addi %mul3A_39, %add3A_255 : i32
    %dma_start3A_257 = arith.constant 2 : i32
    %dma_start3A_258 = arith.constant 0 : i32
    %dma_start3A_259 = tpu.memref_slice %arg4[%dma_start3A_257, %dma_start3A_258] : memref<4x18432xf32, #tpu.memory_space<vmem>> -> memref<1x18432xf32, #tpu.memory_space<vmem>>
    %dma_start3A_260 = tpu.memref_squeeze %dma_start3A_259 : memref<1x18432xf32, #tpu.memory_space<vmem>> -> memref<18432xf32, #tpu.memory_space<vmem>>
    %dma_start3A_261 = tpu.memref_slice %arg2[%add3A_256] : memref<25165824xf32, #tpu.memory_space<hbm>> -> memref<18432xf32, #tpu.memory_space<hbm>>
    %dma_start3A_262 = arith.constant 0 : i32
    %dma_start3A_263 = tpu.memref_slice %arg4[%dma_start3A_257, %dma_start3A_262] : memref<4x18432xf32, #tpu.memory_space<vmem>> -> memref<1x18432xf32, #tpu.memory_space<vmem>>
    %dma_start3A_264 = tpu.memref_squeeze %dma_start3A_263 : memref<1x18432xf32, #tpu.memory_space<vmem>> -> memref<18432xf32, #tpu.memory_space<vmem>>
    %dma_start3A_265 = tpu.memref_slice %arg2[%add3A_256] : memref<25165824xf32, #tpu.memory_space<hbm>> -> memref<18432xf32, #tpu.memory_space<hbm>>
    tpu.enqueue_dma source(%dma_start3A_265 : memref<18432xf32, #tpu.memory_space<hbm>>) target(%dma_start3A_264 : memref<18432xf32, #tpu.memory_space<vmem>>) target_semaphore(%arg8 : memref<!tpu.dma_semaphore, #tpu.memory_space<semaphore_mem>>)
    %scan3A = arith.constant 0 : i32
    %scan3A_266 = arith.constant 0 : i32
    %scan3A_267 = arith.constant 2 : i32
    %scan3A_268 = arith.addi %scan3A_266, %scan3A_267 : i32
    %scan3A_269 = arith.constant 1 : i32
    scf.for %scan3A_271 = %scan3A_266 to %scan3A_268 step %scan3A_269  : i32 {
      %mul3A_272 = arith.constant 4 : i32
      %mul3A_273 = arith.muli %scan3A_271, %mul3A_272 : i32
      %add3A_274 = arith.constant 0 : i32
      %add3A_275 = arith.addi %mul3A_273, %add3A_274 : i32
      %mul3A_276 = arith.constant 18432 : i32
      %mul3A_277 = arith.muli %add3A_275, %mul3A_276 : i32
      %add3A_278 = arith.addi %mul3A_39, %mul3A_277 : i32
      %dma_wait3A = arith.constant 0 : i32
      %dma_wait3A_279 = arith.constant 0 : i32
      %dma_wait3A_280 = tpu.memref_slice %arg4[%dma_wait3A, %dma_wait3A_279] : memref<4x18432xf32, #tpu.memory_space<vmem>> -> memref<1x18432xf32, #tpu.memory_space<vmem>>
      %dma_wait3A_281 = tpu.memref_squeeze %dma_wait3A_280 : memref<1x18432xf32, #tpu.memory_space<vmem>> -> memref<18432xf32, #tpu.memory_space<vmem>>
      %dma_wait3A_282 = tpu.memref_slice %arg2[%add3A_278] : memref<25165824xf32, #tpu.memory_space<hbm>> -> memref<18432xf32, #tpu.memory_space<hbm>>
      %dma_wait3A_283 = arith.constant 0 : i32
      %dma_wait3A_284 = tpu.memref_slice %arg4[%dma_wait3A, %dma_wait3A_283] : memref<4x18432xf32, #tpu.memory_space<vmem>> -> memref<1x18432xf32, #tpu.memory_space<vmem>>
      %dma_wait3A_285 = tpu.memref_squeeze %dma_wait3A_284 : memref<1x18432xf32, #tpu.memory_space<vmem>> -> memref<18432xf32, #tpu.memory_space<vmem>>
      %dma_wait3A_286 = tpu.memref_slice %arg2[%add3A_278] : memref<25165824xf32, #tpu.memory_space<hbm>> -> memref<18432xf32, #tpu.memory_space<hbm>>
      tpu.wait_dma2 semaphore(%arg6 : memref<!tpu.dma_semaphore, #tpu.memory_space<semaphore_mem>>) src(%dma_wait3A_286 : memref<18432xf32, #tpu.memory_space<hbm>>) dst(%dma_wait3A_285 : memref<18432xf32, #tpu.memory_space<vmem>>)
      %scan3A_287 = arith.constant 0 : i32
      %scan3A_288 = arith.constant 0 : i32
      %scan3A_289 = arith.constant 48 : i32
      %scan3A_290 = arith.addi %scan3A_288, %scan3A_289 : i32
      %scan3A_291 = arith.constant 1 : i32
      scf.for %scan3A_395 = %scan3A_288 to %scan3A_290 step %scan3A_291  : i32 {
        %mul3A_396 = arith.constant 16 : i32
        %mul3A_397 = arith.muli %scan3A_395, %mul3A_396 : i32
        %get3A = arith.index_cast %mul3A_397 : i32 to index
        %get3A_398 = tpu.vector_load %arg5[%get3A] {strides = array<i32>} : memref<768xf32, #tpu.memory_space<vmem>>, vector<16xf32>,
        %get3A_399 = vector.shape_cast %get3A_398 : vector<16xf32> to vector<16xf32>
        %add3A_400 = arith.constant 0 : i32
        %add3A_401 = arith.addi %mul3A_397, %add3A_400 : i32
        %get3A_402 = arith.constant 0 : i32
        %get3A_403 = arith.index_cast %get3A_402 : i32 to index
        %get3A_404 = arith.index_cast %add3A_401 : i32 to index
        %get3A_405 = tpu.vector_load %arg4[%get3A_403, %get3A_404] {strides = array<i32>} : memref<4x18432xf32, #tpu.memory_space<vmem>>, vector<1x16xf32>,
        %get3A_406 = vector.shape_cast %get3A_405 : vector<1x16xf32> to vector<16xf32>
        %add3A_407 = arith.addf %get3A_399, %get3A_406 : vector<16xf32>
        %add3A_408 = arith.constant 768 : i32
        %add3A_409 = arith.addi %mul3A_397, %add3A_408 : i32
        %get3A_410 = arith.constant 0 : i32
        %get3A_411 = arith.index_cast %get3A_410 : i32 to index
        %get3A_412 = arith.index_cast %add3A_409 : i32 to index
        %get3A_413 = tpu.vector_load %arg4[%get3A_411, %get3A_412] {strides = array<i32>} : memref<4x18432xf32, #tpu.memory_space<vmem>>, vector<1x16xf32>,
        %get3A_414 = vector.shape_cast %get3A_413 : vector<1x16xf32> to vector<16xf32>
        %add3A_415 = arith.addf %broadcast_in_dim3A_233, %get3A_414 : vector<16xf32>
        %add3A_416 = arith.constant 1536 : i32
        %add3A_417 = arith.addi %mul3A_397, %add3A_416 : i32
        %get3A_418 = arith.constant 0 : i32
        %get3A_419 = arith.index_cast %get3A_418 : i32 to index
        %get3A_420 = arith.index_cast %add3A_417 : i32 to index
        %get3A_421 = tpu.vector_load %arg4[%get3A_419, %get3A_420] {strides = array<i32>} : memref<4x18432xf32, #tpu.memory_space<vmem>>, vector<1x16xf32>,
        %get3A_422 = vector.shape_cast %get3A_421 : vector<1x16xf32> to vector<16xf32>
        %add3A_423 = arith.addf %broadcast_in_dim3A_233, %get3A_422 : vector<16xf32>
        %add3A_424 = arith.constant 2304 : i32
        %add3A_425 = arith.addi %mul3A_397, %add3A_424 : i32
        %get3A_426 = arith.constant 0 : i32
        %get3A_427 = arith.index_cast %get3A_426 : i32 to index
        %get3A_428 = arith.index_cast %add3A_425 : i32 to index
        %get3A_429 = tpu.vector_load %arg4[%get3A_427, %get3A_428] {strides = array<i32>} : memref<4x18432xf32, #tpu.memory_space<vmem>>, vector<1x16xf32>,
        %get3A_430 = vector.shape_cast %get3A_429 : vector<1x16xf32> to vector<16xf32>
        %add3A_431 = arith.addf %broadcast_in_dim3A_233, %get3A_430 : vector<16xf32>
        %add3A_432 = arith.constant 3072 : i32
        %add3A_433 = arith.addi %mul3A_397, %add3A_432 : i32
        %get3A_434 = arith.constant 0 : i32
        %get3A_435 = arith.index_cast %get3A_434 : i32 to index
        %get3A_436 = arith.index_cast %add3A_433 : i32 to index
        %get3A_437 = tpu.vector_load %arg4[%get3A_435, %get3A_436] {strides = array<i32>} : memref<4x18432xf32, #tpu.memory_space<vmem>>, vector<1x16xf32>,
        %get3A_438 = vector.shape_cast %get3A_437 : vector<1x16xf32> to vector<16xf32>
        %add3A_439 = arith.addf %add3A_407, %get3A_438 : vector<16xf32>
        %add3A_440 = arith.constant 3840 : i32
        %add3A_441 = arith.addi %mul3A_397, %add3A_440 : i32
        %get3A_442 = arith.constant 0 : i32
        %get3A_443 = arith.index_cast %get3A_442 : i32 to index
        %get3A_444 = arith.index_cast %add3A_441 : i32 to index
        %get3A_445 = tpu.vector_load %arg4[%get3A_443, %get3A_444] {strides = array<i32>} : memref<4x18432xf32, #tpu.memory_space<vmem>>, vector<1x16xf32>,
        %get3A_446 = vector.shape_cast %get3A_445 : vector<1x16xf32> to vector<16xf32>
        %add3A_447 = arith.addf %add3A_415, %get3A_446 : vector<16xf32>
        %add3A_448 = arith.constant 4608 : i32
        %add3A_449 = arith.addi %mul3A_397, %add3A_448 : i32
        %get3A_450 = arith.constant 0 : i32
        %get3A_451 = arith.index_cast %get3A_450 : i32 to index
        %get3A_452 = arith.index_cast %add3A_449 : i32 to index
        %get3A_453 = tpu.vector_load %arg4[%get3A_451, %get3A_452] {strides = array<i32>} : memref<4x18432xf32, #tpu.memory_space<vmem>>, vector<1x16xf32>,
        %get3A_454 = vector.shape_cast %get3A_453 : vector<1x16xf32> to vector<16xf32>
        %add3A_455 = arith.addf %add3A_423, %get3A_454 : vector<16xf32>
        %add3A_456 = arith.constant 5376 : i32
        %add3A_457 = arith.addi %mul3A_397, %add3A_456 : i32
        %get3A_458 = arith.constant 0 : i32
        %get3A_459 = arith.index_cast %get3A_458 : i32 to index
        %get3A_460 = arith.index_cast %add3A_457 : i32 to index
        %get3A_461 = tpu.vector_load %arg4[%get3A_459, %get3A_460] {strides = array<i32>} : memref<4x18432xf32, #tpu.memory_space<vmem>>, vector<1x16xf32>,
        %get3A_462 = vector.shape_cast %get3A_461 : vector<1x16xf32> to vector<16xf32>
        %add3A_463 = arith.addf %add3A_431, %get3A_462 : vector<16xf32>
        %add3A_464 = arith.constant 6144 : i32
        %add3A_465 = arith.addi %mul3A_397, %add3A_464 : i32
        %get3A_466 = arith.constant 0 : i32
        %get3A_467 = arith.index_cast %get3A_466 : i32 to index
        %get3A_468 = arith.index_cast %add3A_465 : i32 to index
        %get3A_469 = tpu.vector_load %arg4[%get3A_467, %get3A_468] {strides = array<i32>} : memref<4x18432xf32, #tpu.memory_space<vmem>>, vector<1x16xf32>,
        %get3A_470 = vector.shape_cast %get3A_469 : vector<1x16xf32> to vector<16xf32>
        %add3A_471 = arith.addf %add3A_439, %get3A_470 : vector<16xf32>
        %add3A_472 = arith.constant 6912 : i32
        %add3A_473 = arith.addi %mul3A_397, %add3A_472 : i32
        %get3A_474 = arith.constant 0 : i32
        %get3A_475 = arith.index_cast %get3A_474 : i32 to index
        %get3A_476 = arith.index_cast %add3A_473 : i32 to index
        %get3A_477 = tpu.vector_load %arg4[%get3A_475, %get3A_476] {strides = array<i32>} : memref<4x18432xf32, #tpu.memory_space<vmem>>, vector<1x16xf32>,
        %get3A_478 = vector.shape_cast %get3A_477 : vector<1x16xf32> to vector<16xf32>
        %add3A_479 = arith.addf %add3A_447, %get3A_478 : vector<16xf32>
        %add3A_480 = arith.constant 7680 : i32
        %add3A_481 = arith.addi %mul3A_397, %add3A_480 : i32
        %get3A_482 = arith.constant 0 : i32
        %get3A_483 = arith.index_cast %get3A_482 : i32 to index
        %get3A_484 = arith.index_cast %add3A_481 : i32 to index
        %get3A_485 = tpu.vector_load %arg4[%get3A_483, %get3A_484] {strides = array<i32>} : memref<4x18432xf32, #tpu.memory_space<vmem>>, vector<1x16xf32>,
        %get3A_486 = vector.shape_cast %get3A_485 : vector<1x16xf32> to vector<16xf32>
        %add3A_487 = arith.addf %add3A_455, %get3A_486 : vector<16xf32>
        %add3A_488 = arith.constant 8448 : i32
        %add3A_489 = arith.addi %mul3A_397, %add3A_488 : i32
        %get3A_490 = arith.constant 0 : i32
        %get3A_491 = arith.index_cast %get3A_490 : i32 to index
        %get3A_492 = arith.index_cast %add3A_489 : i32 to index
        %get3A_493 = tpu.vector_load %arg4[%get3A_491, %get3A_492] {strides = array<i32>} : memref<4x18432xf32, #tpu.memory_space<vmem>>, vector<1x16xf32>,
        %get3A_494 = vector.shape_cast %get3A_493 : vector<1x16xf32> to vector<16xf32>
        %add3A_495 = arith.addf %add3A_463, %get3A_494 : vector<16xf32>
        %add3A_496 = arith.constant 9216 : i32
        %add3A_497 = arith.addi %mul3A_397, %add3A_496 : i32
        %get3A_498 = arith.constant 0 : i32
        %get3A_499 = arith.index_cast %get3A_498 : i32 to index
        %get3A_500 = arith.index_cast %add3A_497 : i32 to index
        %get3A_501 = tpu.vector_load %arg4[%get3A_499, %get3A_500] {strides = array<i32>} : memref<4x18432xf32, #tpu.memory_space<vmem>>, vector<1x16xf32>,
        %get3A_502 = vector.shape_cast %get3A_501 : vector<1x16xf32> to vector<16xf32>
        %add3A_503 = arith.addf %add3A_471, %get3A_502 : vector<16xf32>
        %add3A_504 = arith.constant 9984 : i32
        %add3A_505 = arith.addi %mul3A_397, %add3A_504 : i32
        %get3A_506 = arith.constant 0 : i32
        %get3A_507 = arith.index_cast %get3A_506 : i32 to index
        %get3A_508 = arith.index_cast %add3A_505 : i32 to index
        %get3A_509 = tpu.vector_load %arg4[%get3A_507, %get3A_508] {strides = array<i32>} : memref<4x18432xf32, #tpu.memory_space<vmem>>, vector<1x16xf32>,
        %get3A_510 = vector.shape_cast %get3A_509 : vector<1x16xf32> to vector<16xf32>
        %add3A_511 = arith.addf %add3A_479, %get3A_510 : vector<16xf32>
        %add3A_512 = arith.constant 10752 : i32
        %add3A_513 = arith.addi %mul3A_397, %add3A_512 : i32
        %get3A_514 = arith.constant 0 : i32
        %get3A_515 = arith.index_cast %get3A_514 : i32 to index
        %get3A_516 = arith.index_cast %add3A_513 : i32 to index
        %get3A_517 = tpu.vector_load %arg4[%get3A_515, %get3A_516] {strides = array<i32>} : memref<4x18432xf32, #tpu.memory_space<vmem>>, vector<1x16xf32>,
        %get3A_518 = vector.shape_cast %get3A_517 : vector<1x16xf32> to vector<16xf32>
        %add3A_519 = arith.addf %add3A_487, %get3A_518 : vector<16xf32>
        %add3A_520 = arith.constant 11520 : i32
        %add3A_521 = arith.addi %mul3A_397, %add3A_520 : i32
        %get3A_522 = arith.constant 0 : i32
        %get3A_523 = arith.index_cast %get3A_522 : i32 to index
        %get3A_524 = arith.index_cast %add3A_521 : i32 to index
        %get3A_525 = tpu.vector_load %arg4[%get3A_523, %get3A_524] {strides = array<i32>} : memref<4x18432xf32, #tpu.memory_space<vmem>>, vector<1x16xf32>,
        %get3A_526 = vector.shape_cast %get3A_525 : vector<1x16xf32> to vector<16xf32>
        %add3A_527 = arith.addf %add3A_495, %get3A_526 : vector<16xf32>
        %add3A_528 = arith.constant 12288 : i32
        %add3A_529 = arith.addi %mul3A_397, %add3A_528 : i32
        %get3A_530 = arith.constant 0 : i32
        %get3A_531 = arith.index_cast %get3A_530 : i32 to index
        %get3A_532 = arith.index_cast %add3A_529 : i32 to index
        %get3A_533 = tpu.vector_load %arg4[%get3A_531, %get3A_532] {strides = array<i32>} : memref<4x18432xf32, #tpu.memory_space<vmem>>, vector<1x16xf32>,
        %get3A_534 = vector.shape_cast %get3A_533 : vector<1x16xf32> to vector<16xf32>
        %add3A_535 = arith.addf %add3A_503, %get3A_534 : vector<16xf32>
        %add3A_536 = arith.constant 13056 : i32
        %add3A_537 = arith.addi %mul3A_397, %add3A_536 : i32
        %get3A_538 = arith.constant 0 : i32
        %get3A_539 = arith.index_cast %get3A_538 : i32 to index
        %get3A_540 = arith.index_cast %add3A_537 : i32 to index
        %get3A_541 = tpu.vector_load %arg4[%get3A_539, %get3A_540] {strides = array<i32>} : memref<4x18432xf32, #tpu.memory_space<vmem>>, vector<1x16xf32>,
        %get3A_542 = vector.shape_cast %get3A_541 : vector<1x16xf32> to vector<16xf32>
        %add3A_543 = arith.addf %add3A_511, %get3A_542 : vector<16xf32>
        %add3A_544 = arith.constant 13824 : i32
        %add3A_545 = arith.addi %mul3A_397, %add3A_544 : i32
        %get3A_546 = arith.constant 0 : i32
        %get3A_547 = arith.index_cast %get3A_546 : i32 to index
        %get3A_548 = arith.index_cast %add3A_545 : i32 to index
        %get3A_549 = tpu.vector_load %arg4[%get3A_547, %get3A_548] {strides = array<i32>} : memref<4x18432xf32, #tpu.memory_space<vmem>>, vector<1x16xf32>,
        %get3A_550 = vector.shape_cast %get3A_549 : vector<1x16xf32> to vector<16xf32>
        %add3A_551 = arith.addf %add3A_519, %get3A_550 : vector<16xf32>
        %add3A_552 = arith.constant 14592 : i32
        %add3A_553 = arith.addi %mul3A_397, %add3A_552 : i32
        %get3A_554 = arith.constant 0 : i32
        %get3A_555 = arith.index_cast %get3A_554 : i32 to index
        %get3A_556 = arith.index_cast %add3A_553 : i32 to index
        %get3A_557 = tpu.vector_load %arg4[%get3A_555, %get3A_556] {strides = array<i32>} : memref<4x18432xf32, #tpu.memory_space<vmem>>, vector<1x16xf32>,
        %get3A_558 = vector.shape_cast %get3A_557 : vector<1x16xf32> to vector<16xf32>
        %add3A_559 = arith.addf %add3A_527, %get3A_558 : vector<16xf32>
        %add3A_560 = arith.constant 15360 : i32
        %add3A_561 = arith.addi %mul3A_397, %add3A_560 : i32
        %get3A_562 = arith.constant 0 : i32
        %get3A_563 = arith.index_cast %get3A_562 : i32 to index
        %get3A_564 = arith.index_cast %add3A_561 : i32 to index
        %get3A_565 = tpu.vector_load %arg4[%get3A_563, %get3A_564] {strides = array<i32>} : memref<4x18432xf32, #tpu.memory_space<vmem>>, vector<1x16xf32>,
        %get3A_566 = vector.shape_cast %get3A_565 : vector<1x16xf32> to vector<16xf32>
        %add3A_567 = arith.addf %add3A_535, %get3A_566 : vector<16xf32>
        %add3A_568 = arith.constant 16128 : i32
        %add3A_569 = arith.addi %mul3A_397, %add3A_568 : i32
        %get3A_570 = arith.constant 0 : i32
        %get3A_571 = arith.index_cast %get3A_570 : i32 to index
        %get3A_572 = arith.index_cast %add3A_569 : i32 to index
        %get3A_573 = tpu.vector_load %arg4[%get3A_571, %get3A_572] {strides = array<i32>} : memref<4x18432xf32, #tpu.memory_space<vmem>>, vector<1x16xf32>,
        %get3A_574 = vector.shape_cast %get3A_573 : vector<1x16xf32> to vector<16xf32>
        %add3A_575 = arith.addf %add3A_543, %get3A_574 : vector<16xf32>
        %add3A_576 = arith.constant 16896 : i32
        %add3A_577 = arith.addi %mul3A_397, %add3A_576 : i32
        %get3A_578 = arith.constant 0 : i32
        %get3A_579 = arith.index_cast %get3A_578 : i32 to index
        %get3A_580 = arith.index_cast %add3A_577 : i32 to index
        %get3A_581 = tpu.vector_load %arg4[%get3A_579, %get3A_580] {strides = array<i32>} : memref<4x18432xf32, #tpu.memory_space<vmem>>, vector<1x16xf32>,
        %get3A_582 = vector.shape_cast %get3A_581 : vector<1x16xf32> to vector<16xf32>
        %add3A_583 = arith.addf %add3A_551, %get3A_582 : vector<16xf32>
        %add3A_584 = arith.constant 17664 : i32
        %add3A_585 = arith.addi %mul3A_397, %add3A_584 : i32
        %get3A_586 = arith.constant 0 : i32
        %get3A_587 = arith.index_cast %get3A_586 : i32 to index
        %get3A_588 = arith.index_cast %add3A_585 : i32 to index
        %get3A_589 = tpu.vector_load %arg4[%get3A_587, %get3A_588] {strides = array<i32>} : memref<4x18432xf32, #tpu.memory_space<vmem>>, vector<1x16xf32>,
        %get3A_590 = vector.shape_cast %get3A_589 : vector<1x16xf32> to vector<16xf32>
        %add3A_591 = arith.addf %add3A_559, %get3A_590 : vector<16xf32>
        %add3A_592 = arith.addf %add3A_567, %add3A_575 : vector<16xf32>
        %add3A_593 = arith.addf %add3A_583, %add3A_591 : vector<16xf32>
        %add3A_594 = arith.addf %add3A_592, %add3A_593 : vector<16xf32>
        %swap3A_595 = arith.index_cast %mul3A_397 : i32 to index
        %swap3A_596 = tpu.vector_load %arg5[%swap3A_595] {strides = array<i32>} : memref<768xf32, #tpu.memory_space<vmem>>, vector<16xf32>,
        %swap3A_597 = vector.shape_cast %swap3A_596 : vector<16xf32> to vector<16xf32>
        %swap3A_598 = vector.shape_cast %add3A_594 : vector<16xf32> to vector<16xf32>
        tpu.vector_store %arg5[%swap3A_595], %swap3A_598 {strides = array<i32>} : memref<768xf32, #tpu.memory_space<vmem>>, vector<16xf32>,
      }
      %scan3A_292 = arith.constant 48 : i32
      %add3A_293 = arith.constant 0 : i32
      %add3A_294 = arith.addi %mul3A_273, %add3A_293 : i32
      %add3A_295 = arith.constant 4 : i32
      %add3A_296 = arith.addi %add3A_294, %add3A_295 : i32
      %sub3A_297 = arith.constant 1 : i32
      %sub3A_298 = arith.subi %add3A_296, %sub3A_297 : i32
      %lt3A_299 = arith.constant 8 : i32
      %lt3A_300 = arith.cmpi slt, %sub3A_298, %lt3A_299 : i32
      %convert_element_type3A = arith.extui %lt3A_300 : i1 to i32
      %cond3A = arith.constant 0 : i32
      %cond3A_301 = arith.cmpi ne, %convert_element_type3A, %cond3A : i32
      scf.if %cond3A_301 {
        %add3A_395 = arith.constant 0 : i32
        %add3A_396 = arith.addi %mul3A_273, %add3A_395 : i32
        %add3A_397 = arith.constant 4 : i32
        %add3A_398 = arith.addi %add3A_396, %add3A_397 : i32
        %sub3A_399 = arith.constant 1 : i32
        %sub3A_400 = arith.subi %add3A_398, %sub3A_399 : i32
        %mul3A_401 = arith.constant 18432 : i32
        %mul3A_402 = arith.muli %sub3A_400, %mul3A_401 : i32
        %add3A_403 = arith.addi %mul3A_39, %mul3A_402 : i32
        %dma_start3A_404 = arith.constant 3 : i32
        %dma_start3A_405 = arith.constant 0 : i32
        %dma_start3A_406 = tpu.memref_slice %arg4[%dma_start3A_404, %dma_start3A_405] : memref<4x18432xf32, #tpu.memory_space<vmem>> -> memref<1x18432xf32, #tpu.memory_space<vmem>>
        %dma_start3A_407 = tpu.memref_squeeze %dma_start3A_406 : memref<1x18432xf32, #tpu.memory_space<vmem>> -> memref<18432xf32, #tpu.memory_space<vmem>>
        %dma_start3A_408 = tpu.memref_slice %arg2[%add3A_403] : memref<25165824xf32, #tpu.memory_space<hbm>> -> memref<18432xf32, #tpu.memory_space<hbm>>
        %dma_start3A_409 = arith.constant 0 : i32
        %dma_start3A_410 = tpu.memref_slice %arg4[%dma_start3A_404, %dma_start3A_409] : memref<4x18432xf32, #tpu.memory_space<vmem>> -> memref<1x18432xf32, #tpu.memory_space<vmem>>
        %dma_start3A_411 = tpu.memref_squeeze %dma_start3A_410 : memref<1x18432xf32, #tpu.memory_space<vmem>> -> memref<18432xf32, #tpu.memory_space<vmem>>
        %dma_start3A_412 = tpu.memref_slice %arg2[%add3A_403] : memref<25165824xf32, #tpu.memory_space<hbm>> -> memref<18432xf32, #tpu.memory_space<hbm>>
        tpu.enqueue_dma source(%dma_start3A_412 : memref<18432xf32, #tpu.memory_space<hbm>>) target(%dma_start3A_411 : memref<18432xf32, #tpu.memory_space<vmem>>) target_semaphore(%arg9 : memref<!tpu.dma_semaphore, #tpu.memory_space<semaphore_mem>>)
      } else {
      }
      %add3A_302 = arith.constant 1 : i32
      %add3A_303 = arith.addi %mul3A_273, %add3A_302 : i32
      %mul3A_304 = arith.constant 18432 : i32
      %mul3A_305 = arith.muli %add3A_303, %mul3A_304 : i32
      %add3A_306 = arith.addi %mul3A_39, %mul3A_305 : i32
      %dma_wait3A_307 = arith.constant 1 : i32
      %dma_wait3A_308 = arith.constant 0 : i32
      %dma_wait3A_309 = tpu.memref_slice %arg4[%dma_wait3A_307, %dma_wait3A_308] : memref<4x18432xf32, #tpu.memory_space<vmem>> -> memref<1x18432xf32, #tpu.memory_space<vmem>>
      %dma_wait3A_310 = tpu.memref_squeeze %dma_wait3A_309 : memref<1x18432xf32, #tpu.memory_space<vmem>> -> memref<18432xf32, #tpu.memory_space<vmem>>
      %dma_wait3A_311 = tpu.memref_slice %arg2[%add3A_306] : memref<25165824xf32, #tpu.memory_space<hbm>> -> memref<18432xf32, #tpu.memory_space<hbm>>
      %dma_wait3A_312 = arith.constant 0 : i32
      %dma_wait3A_313 = tpu.memref_slice %arg4[%dma_wait3A_307, %dma_wait3A_312] : memref<4x18432xf32, #tpu.memory_space<vmem>> -> memref<1x18432xf32, #tpu.memory_space<vmem>>
      %dma_wait3A_314 = tpu.memref_squeeze %dma_wait3A_313 : memref<1x18432xf32, #tpu.memory_space<vmem>> -> memref<18432xf32, #tpu.memory_space<vmem>>
      %dma_wait3A_315 = tpu.memref_slice %arg2[%add3A_306] : memref<25165824xf32, #tpu.memory_space<hbm>> -> memref<18432xf32, #tpu.memory_space<hbm>>
      tpu.wait_dma2 semaphore(%arg7 : memref<!tpu.dma_semaphore, #tpu.memory_space<semaphore_mem>>) src(%dma_wait3A_315 : memref<18432xf32, #tpu.memory_space<hbm>>) dst(%dma_wait3A_314 : memref<18432xf32, #tpu.memory_space<vmem>>)
      %scan3A_316 = arith.constant 0 : i32
      %scan3A_317 = arith.constant 0 : i32
      %scan3A_318 = arith.constant 48 : i32
      %scan3A_319 = arith.addi %scan3A_317, %scan3A_318 : i32
      %scan3A_320 = arith.constant 1 : i32
      scf.for %scan3A_395 = %scan3A_317 to %scan3A_319 step %scan3A_320  : i32 {
        %mul3A_396 = arith.constant 16 : i32
        %mul3A_397 = arith.muli %scan3A_395, %mul3A_396 : i32
        %get3A = arith.index_cast %mul3A_397 : i32 to index
        %get3A_398 = tpu.vector_load %arg5[%get3A] {strides = array<i32>} : memref<768xf32, #tpu.memory_space<vmem>>, vector<16xf32>,
        %get3A_399 = vector.shape_cast %get3A_398 : vector<16xf32> to vector<16xf32>
        %add3A_400 = arith.constant 0 : i32
        %add3A_401 = arith.addi %mul3A_397, %add3A_400 : i32
        %get3A_402 = arith.constant 1 : i32
        %get3A_403 = arith.index_cast %get3A_402 : i32 to index
        %get3A_404 = arith.index_cast %add3A_401 : i32 to index
        %get3A_405 = tpu.vector_load %arg4[%get3A_403, %get3A_404] {strides = array<i32>} : memref<4x18432xf32, #tpu.memory_space<vmem>>, vector<1x16xf32>,
        %get3A_406 = vector.shape_cast %get3A_405 : vector<1x16xf32> to vector<16xf32>
        %add3A_407 = arith.addf %get3A_399, %get3A_406 : vector<16xf32>
        %add3A_408 = arith.constant 768 : i32
        %add3A_409 = arith.addi %mul3A_397, %add3A_408 : i32
        %get3A_410 = arith.constant 1 : i32
        %get3A_411 = arith.index_cast %get3A_410 : i32 to index
        %get3A_412 = arith.index_cast %add3A_409 : i32 to index
        %get3A_413 = tpu.vector_load %arg4[%get3A_411, %get3A_412] {strides = array<i32>} : memref<4x18432xf32, #tpu.memory_space<vmem>>, vector<1x16xf32>,
        %get3A_414 = vector.shape_cast %get3A_413 : vector<1x16xf32> to vector<16xf32>
        %add3A_415 = arith.addf %broadcast_in_dim3A_233, %get3A_414 : vector<16xf32>
        %add3A_416 = arith.constant 1536 : i32
        %add3A_417 = arith.addi %mul3A_397, %add3A_416 : i32
        %get3A_418 = arith.constant 1 : i32
        %get3A_419 = arith.index_cast %get3A_418 : i32 to index
        %get3A_420 = arith.index_cast %add3A_417 : i32 to index
        %get3A_421 = tpu.vector_load %arg4[%get3A_419, %get3A_420] {strides = array<i32>} : memref<4x18432xf32, #tpu.memory_space<vmem>>, vector<1x16xf32>,
        %get3A_422 = vector.shape_cast %get3A_421 : vector<1x16xf32> to vector<16xf32>
        %add3A_423 = arith.addf %broadcast_in_dim3A_233, %get3A_422 : vector<16xf32>
        %add3A_424 = arith.constant 2304 : i32
        %add3A_425 = arith.addi %mul3A_397, %add3A_424 : i32
        %get3A_426 = arith.constant 1 : i32
        %get3A_427 = arith.index_cast %get3A_426 : i32 to index
        %get3A_428 = arith.index_cast %add3A_425 : i32 to index
        %get3A_429 = tpu.vector_load %arg4[%get3A_427, %get3A_428] {strides = array<i32>} : memref<4x18432xf32, #tpu.memory_space<vmem>>, vector<1x16xf32>,
        %get3A_430 = vector.shape_cast %get3A_429 : vector<1x16xf32> to vector<16xf32>
        %add3A_431 = arith.addf %broadcast_in_dim3A_233, %get3A_430 : vector<16xf32>
        %add3A_432 = arith.constant 3072 : i32
        %add3A_433 = arith.addi %mul3A_397, %add3A_432 : i32
        %get3A_434 = arith.constant 1 : i32
        %get3A_435 = arith.index_cast %get3A_434 : i32 to index
        %get3A_436 = arith.index_cast %add3A_433 : i32 to index
        %get3A_437 = tpu.vector_load %arg4[%get3A_435, %get3A_436] {strides = array<i32>} : memref<4x18432xf32, #tpu.memory_space<vmem>>, vector<1x16xf32>,
        %get3A_438 = vector.shape_cast %get3A_437 : vector<1x16xf32> to vector<16xf32>
        %add3A_439 = arith.addf %add3A_407, %get3A_438 : vector<16xf32>
        %add3A_440 = arith.constant 3840 : i32
        %add3A_441 = arith.addi %mul3A_397, %add3A_440 : i32
        %get3A_442 = arith.constant 1 : i32
        %get3A_443 = arith.index_cast %get3A_442 : i32 to index
        %get3A_444 = arith.index_cast %add3A_441 : i32 to index
        %get3A_445 = tpu.vector_load %arg4[%get3A_443, %get3A_444] {strides = array<i32>} : memref<4x18432xf32, #tpu.memory_space<vmem>>, vector<1x16xf32>,
        %get3A_446 = vector.shape_cast %get3A_445 : vector<1x16xf32> to vector<16xf32>
        %add3A_447 = arith.addf %add3A_415, %get3A_446 : vector<16xf32>
        %add3A_448 = arith.constant 4608 : i32
        %add3A_449 = arith.addi %mul3A_397, %add3A_448 : i32
        %get3A_450 = arith.constant 1 : i32
        %get3A_451 = arith.index_cast %get3A_450 : i32 to index
        %get3A_452 = arith.index_cast %add3A_449 : i32 to index
        %get3A_453 = tpu.vector_load %arg4[%get3A_451, %get3A_452] {strides = array<i32>} : memref<4x18432xf32, #tpu.memory_space<vmem>>, vector<1x16xf32>,
        %get3A_454 = vector.shape_cast %get3A_453 : vector<1x16xf32> to vector<16xf32>
        %add3A_455 = arith.addf %add3A_423, %get3A_454 : vector<16xf32>
        %add3A_456 = arith.constant 5376 : i32
        %add3A_457 = arith.addi %mul3A_397, %add3A_456 : i32
        %get3A_458 = arith.constant 1 : i32
        %get3A_459 = arith.index_cast %get3A_458 : i32 to index
        %get3A_460 = arith.index_cast %add3A_457 : i32 to index
        %get3A_461 = tpu.vector_load %arg4[%get3A_459, %get3A_460] {strides = array<i32>} : memref<4x18432xf32, #tpu.memory_space<vmem>>, vector<1x16xf32>,
        %get3A_462 = vector.shape_cast %get3A_461 : vector<1x16xf32> to vector<16xf32>
        %add3A_463 = arith.addf %add3A_431, %get3A_462 : vector<16xf32>
        %add3A_464 = arith.constant 6144 : i32
        %add3A_465 = arith.addi %mul3A_397, %add3A_464 : i32
        %get3A_466 = arith.constant 1 : i32
        %get3A_467 = arith.index_cast %get3A_466 : i32 to index
        %get3A_468 = arith.index_cast %add3A_465 : i32 to index
        %get3A_469 = tpu.vector_load %arg4[%get3A_467, %get3A_468] {strides = array<i32>} : memref<4x18432xf32, #tpu.memory_space<vmem>>, vector<1x16xf32>,
        %get3A_470 = vector.shape_cast %get3A_469 : vector<1x16xf32> to vector<16xf32>
        %add3A_471 = arith.addf %add3A_439, %get3A_470 : vector<16xf32>
        %add3A_472 = arith.constant 6912 : i32
        %add3A_473 = arith.addi %mul3A_397, %add3A_472 : i32
        %get3A_474 = arith.constant 1 : i32
        %get3A_475 = arith.index_cast %get3A_474 : i32 to index
        %get3A_476 = arith.index_cast %add3A_473 : i32 to index
        %get3A_477 = tpu.vector_load %arg4[%get3A_475, %get3A_476] {strides = array<i32>} : memref<4x18432xf32, #tpu.memory_space<vmem>>, vector<1x16xf32>,
        %get3A_478 = vector.shape_cast %get3A_477 : vector<1x16xf32> to vector<16xf32>
        %add3A_479 = arith.addf %add3A_447, %get3A_478 : vector<16xf32>
        %add3A_480 = arith.constant 7680 : i32
        %add3A_481 = arith.addi %mul3A_397, %add3A_480 : i32
        %get3A_482 = arith.constant 1 : i32
        %get3A_483 = arith.index_cast %get3A_482 : i32 to index
        %get3A_484 = arith.index_cast %add3A_481 : i32 to index
        %get3A_485 = tpu.vector_load %arg4[%get3A_483, %get3A_484] {strides = array<i32>} : memref<4x18432xf32, #tpu.memory_space<vmem>>, vector<1x16xf32>,
        %get3A_486 = vector.shape_cast %get3A_485 : vector<1x16xf32> to vector<16xf32>
        %add3A_487 = arith.addf %add3A_455, %get3A_486 : vector<16xf32>
        %add3A_488 = arith.constant 8448 : i32
        %add3A_489 = arith.addi %mul3A_397, %add3A_488 : i32
        %get3A_490 = arith.constant 1 : i32
        %get3A_491 = arith.index_cast %get3A_490 : i32 to index
        %get3A_492 = arith.index_cast %add3A_489 : i32 to index
        %get3A_493 = tpu.vector_load %arg4[%get3A_491, %get3A_492] {strides = array<i32>} : memref<4x18432xf32, #tpu.memory_space<vmem>>, vector<1x16xf32>,
        %get3A_494 = vector.shape_cast %get3A_493 : vector<1x16xf32> to vector<16xf32>
        %add3A_495 = arith.addf %add3A_463, %get3A_494 : vector<16xf32>
        %add3A_496 = arith.constant 9216 : i32
        %add3A_497 = arith.addi %mul3A_397, %add3A_496 : i32
        %get3A_498 = arith.constant 1 : i32
        %get3A_499 = arith.index_cast %get3A_498 : i32 to index
        %get3A_500 = arith.index_cast %add3A_497 : i32 to index
        %get3A_501 = tpu.vector_load %arg4[%get3A_499, %get3A_500] {strides = array<i32>} : memref<4x18432xf32, #tpu.memory_space<vmem>>, vector<1x16xf32>,
        %get3A_502 = vector.shape_cast %get3A_501 : vector<1x16xf32> to vector<16xf32>
        %add3A_503 = arith.addf %add3A_471, %get3A_502 : vector<16xf32>
        %add3A_504 = arith.constant 9984 : i32
        %add3A_505 = arith.addi %mul3A_397, %add3A_504 : i32
        %get3A_506 = arith.constant 1 : i32
        %get3A_507 = arith.index_cast %get3A_506 : i32 to index
        %get3A_508 = arith.index_cast %add3A_505 : i32 to index
        %get3A_509 = tpu.vector_load %arg4[%get3A_507, %get3A_508] {strides = array<i32>} : memref<4x18432xf32, #tpu.memory_space<vmem>>, vector<1x16xf32>,
        %get3A_510 = vector.shape_cast %get3A_509 : vector<1x16xf32> to vector<16xf32>
        %add3A_511 = arith.addf %add3A_479, %get3A_510 : vector<16xf32>
        %add3A_512 = arith.constant 10752 : i32
        %add3A_513 = arith.addi %mul3A_397, %add3A_512 : i32
        %get3A_514 = arith.constant 1 : i32
        %get3A_515 = arith.index_cast %get3A_514 : i32 to index
        %get3A_516 = arith.index_cast %add3A_513 : i32 to index
        %get3A_517 = tpu.vector_load %arg4[%get3A_515, %get3A_516] {strides = array<i32>} : memref<4x18432xf32, #tpu.memory_space<vmem>>, vector<1x16xf32>,
        %get3A_518 = vector.shape_cast %get3A_517 : vector<1x16xf32> to vector<16xf32>
        %add3A_519 = arith.addf %add3A_487, %get3A_518 : vector<16xf32>
        %add3A_520 = arith.constant 11520 : i32
        %add3A_521 = arith.addi %mul3A_397, %add3A_520 : i32
        %get3A_522 = arith.constant 1 : i32
        %get3A_523 = arith.index_cast %get3A_522 : i32 to index
        %get3A_524 = arith.index_cast %add3A_521 : i32 to index
        %get3A_525 = tpu.vector_load %arg4[%get3A_523, %get3A_524] {strides = array<i32>} : memref<4x18432xf32, #tpu.memory_space<vmem>>, vector<1x16xf32>,
        %get3A_526 = vector.shape_cast %get3A_525 : vector<1x16xf32> to vector<16xf32>
        %add3A_527 = arith.addf %add3A_495, %get3A_526 : vector<16xf32>
        %add3A_528 = arith.constant 12288 : i32
        %add3A_529 = arith.addi %mul3A_397, %add3A_528 : i32
        %get3A_530 = arith.constant 1 : i32
        %get3A_531 = arith.index_cast %get3A_530 : i32 to index
        %get3A_532 = arith.index_cast %add3A_529 : i32 to index
        %get3A_533 = tpu.vector_load %arg4[%get3A_531, %get3A_532] {strides = array<i32>} : memref<4x18432xf32, #tpu.memory_space<vmem>>, vector<1x16xf32>,
        %get3A_534 = vector.shape_cast %get3A_533 : vector<1x16xf32> to vector<16xf32>
        %add3A_535 = arith.addf %add3A_503, %get3A_534 : vector<16xf32>
        %add3A_536 = arith.constant 13056 : i32
        %add3A_537 = arith.addi %mul3A_397, %add3A_536 : i32
        %get3A_538 = arith.constant 1 : i32
        %get3A_539 = arith.index_cast %get3A_538 : i32 to index
        %get3A_540 = arith.index_cast %add3A_537 : i32 to index
        %get3A_541 = tpu.vector_load %arg4[%get3A_539, %get3A_540] {strides = array<i32>} : memref<4x18432xf32, #tpu.memory_space<vmem>>, vector<1x16xf32>,
        %get3A_542 = vector.shape_cast %get3A_541 : vector<1x16xf32> to vector<16xf32>
        %add3A_543 = arith.addf %add3A_511, %get3A_542 : vector<16xf32>
        %add3A_544 = arith.constant 13824 : i32
        %add3A_545 = arith.addi %mul3A_397, %add3A_544 : i32
        %get3A_546 = arith.constant 1 : i32
        %get3A_547 = arith.index_cast %get3A_546 : i32 to index
        %get3A_548 = arith.index_cast %add3A_545 : i32 to index
        %get3A_549 = tpu.vector_load %arg4[%get3A_547, %get3A_548] {strides = array<i32>} : memref<4x18432xf32, #tpu.memory_space<vmem>>, vector<1x16xf32>,
        %get3A_550 = vector.shape_cast %get3A_549 : vector<1x16xf32> to vector<16xf32>
        %add3A_551 = arith.addf %add3A_519, %get3A_550 : vector<16xf32>
        %add3A_552 = arith.constant 14592 : i32
        %add3A_553 = arith.addi %mul3A_397, %add3A_552 : i32
        %get3A_554 = arith.constant 1 : i32
        %get3A_555 = arith.index_cast %get3A_554 : i32 to index
        %get3A_556 = arith.index_cast %add3A_553 : i32 to index
        %get3A_557 = tpu.vector_load %arg4[%get3A_555, %get3A_556] {strides = array<i32>} : memref<4x18432xf32, #tpu.memory_space<vmem>>, vector<1x16xf32>,
        %get3A_558 = vector.shape_cast %get3A_557 : vector<1x16xf32> to vector<16xf32>
        %add3A_559 = arith.addf %add3A_527, %get3A_558 : vector<16xf32>
        %add3A_560 = arith.constant 15360 : i32
        %add3A_561 = arith.addi %mul3A_397, %add3A_560 : i32
        %get3A_562 = arith.constant 1 : i32
        %get3A_563 = arith.index_cast %get3A_562 : i32 to index
        %get3A_564 = arith.index_cast %add3A_561 : i32 to index
        %get3A_565 = tpu.vector_load %arg4[%get3A_563, %get3A_564] {strides = array<i32>} : memref<4x18432xf32, #tpu.memory_space<vmem>>, vector<1x16xf32>,
        %get3A_566 = vector.shape_cast %get3A_565 : vector<1x16xf32> to vector<16xf32>
        %add3A_567 = arith.addf %add3A_535, %get3A_566 : vector<16xf32>
        %add3A_568 = arith.constant 16128 : i32
        %add3A_569 = arith.addi %mul3A_397, %add3A_568 : i32
        %get3A_570 = arith.constant 1 : i32
        %get3A_571 = arith.index_cast %get3A_570 : i32 to index
        %get3A_572 = arith.index_cast %add3A_569 : i32 to index
        %get3A_573 = tpu.vector_load %arg4[%get3A_571, %get3A_572] {strides = array<i32>} : memref<4x18432xf32, #tpu.memory_space<vmem>>, vector<1x16xf32>,
        %get3A_574 = vector.shape_cast %get3A_573 : vector<1x16xf32> to vector<16xf32>
        %add3A_575 = arith.addf %add3A_543, %get3A_574 : vector<16xf32>
        %add3A_576 = arith.constant 16896 : i32
        %add3A_577 = arith.addi %mul3A_397, %add3A_576 : i32
        %get3A_578 = arith.constant 1 : i32
        %get3A_579 = arith.index_cast %get3A_578 : i32 to index
        %get3A_580 = arith.index_cast %add3A_577 : i32 to index
        %get3A_581 = tpu.vector_load %arg4[%get3A_579, %get3A_580] {strides = array<i32>} : memref<4x18432xf32, #tpu.memory_space<vmem>>, vector<1x16xf32>,
        %get3A_582 = vector.shape_cast %get3A_581 : vector<1x16xf32> to vector<16xf32>
        %add3A_583 = arith.addf %add3A_551, %get3A_582 : vector<16xf32>
        %add3A_584 = arith.constant 17664 : i32
        %add3A_585 = arith.addi %mul3A_397, %add3A_584 : i32
        %get3A_586 = arith.constant 1 : i32
        %get3A_587 = arith.index_cast %get3A_586 : i32 to index
        %get3A_588 = arith.index_cast %add3A_585 : i32 to index
        %get3A_589 = tpu.vector_load %arg4[%get3A_587, %get3A_588] {strides = array<i32>} : memref<4x18432xf32, #tpu.memory_space<vmem>>, vector<1x16xf32>,
        %get3A_590 = vector.shape_cast %get3A_589 : vector<1x16xf32> to vector<16xf32>
        %add3A_591 = arith.addf %add3A_559, %get3A_590 : vector<16xf32>
        %add3A_592 = arith.addf %add3A_567, %add3A_575 : vector<16xf32>
        %add3A_593 = arith.addf %add3A_583, %add3A_591 : vector<16xf32>
        %add3A_594 = arith.addf %add3A_592, %add3A_593 : vector<16xf32>
        %swap3A_595 = arith.index_cast %mul3A_397 : i32 to index
        %swap3A_596 = tpu.vector_load %arg5[%swap3A_595] {strides = array<i32>} : memref<768xf32, #tpu.memory_space<vmem>>, vector<16xf32>,
        %swap3A_597 = vector.shape_cast %swap3A_596 : vector<16xf32> to vector<16xf32>
        %swap3A_598 = vector.shape_cast %add3A_594 : vector<16xf32> to vector<16xf32>
        tpu.vector_store %arg5[%swap3A_595], %swap3A_598 {strides = array<i32>} : memref<768xf32, #tpu.memory_space<vmem>>, vector<16xf32>,
      }
      %scan3A_321 = arith.constant 48 : i32
      %add3A_322 = arith.constant 1 : i32
      %add3A_323 = arith.addi %mul3A_273, %add3A_322 : i32
      %add3A_324 = arith.constant 4 : i32
      %add3A_325 = arith.addi %add3A_323, %add3A_324 : i32
      %sub3A_326 = arith.constant 1 : i32
      %sub3A_327 = arith.subi %add3A_325, %sub3A_326 : i32
      %lt3A_328 = arith.constant 8 : i32
      %lt3A_329 = arith.cmpi slt, %sub3A_327, %lt3A_328 : i32
      %convert_element_type3A_330 = arith.extui %lt3A_329 : i1 to i32
      %cond3A_331 = arith.constant 0 : i32
      %cond3A_332 = arith.cmpi ne, %convert_element_type3A_330, %cond3A_331 : i32
      scf.if %cond3A_332 {
        %add3A_395 = arith.constant 1 : i32
        %add3A_396 = arith.addi %mul3A_273, %add3A_395 : i32
        %add3A_397 = arith.constant 4 : i32
        %add3A_398 = arith.addi %add3A_396, %add3A_397 : i32
        %sub3A_399 = arith.constant 1 : i32
        %sub3A_400 = arith.subi %add3A_398, %sub3A_399 : i32
        %mul3A_401 = arith.constant 18432 : i32
        %mul3A_402 = arith.muli %sub3A_400, %mul3A_401 : i32
        %add3A_403 = arith.addi %mul3A_39, %mul3A_402 : i32
        %dma_start3A_404 = arith.constant 0 : i32
        %dma_start3A_405 = arith.constant 0 : i32
        %dma_start3A_406 = tpu.memref_slice %arg4[%dma_start3A_404, %dma_start3A_405] : memref<4x18432xf32, #tpu.memory_space<vmem>> -> memref<1x18432xf32, #tpu.memory_space<vmem>>
        %dma_start3A_407 = tpu.memref_squeeze %dma_start3A_406 : memref<1x18432xf32, #tpu.memory_space<vmem>> -> memref<18432xf32, #tpu.memory_space<vmem>>
        %dma_start3A_408 = tpu.memref_slice %arg2[%add3A_403] : memref<25165824xf32, #tpu.memory_space<hbm>> -> memref<18432xf32, #tpu.memory_space<hbm>>
        %dma_start3A_409 = arith.constant 0 : i32
        %dma_start3A_410 = tpu.memref_slice %arg4[%dma_start3A_404, %dma_start3A_409] : memref<4x18432xf32, #tpu.memory_space<vmem>> -> memref<1x18432xf32, #tpu.memory_space<vmem>>
        %dma_start3A_411 = tpu.memref_squeeze %dma_start3A_410 : memref<1x18432xf32, #tpu.memory_space<vmem>> -> memref<18432xf32, #tpu.memory_space<vmem>>
        %dma_start3A_412 = tpu.memref_slice %arg2[%add3A_403] : memref<25165824xf32, #tpu.memory_space<hbm>> -> memref<18432xf32, #tpu.memory_space<hbm>>
        tpu.enqueue_dma source(%dma_start3A_412 : memref<18432xf32, #tpu.memory_space<hbm>>) target(%dma_start3A_411 : memref<18432xf32, #tpu.memory_space<vmem>>) target_semaphore(%arg6 : memref<!tpu.dma_semaphore, #tpu.memory_space<semaphore_mem>>)
      } else {
      }
      %add3A_333 = arith.constant 2 : i32
      %add3A_334 = arith.addi %mul3A_273, %add3A_333 : i32
      %mul3A_335 = arith.constant 18432 : i32
      %mul3A_336 = arith.muli %add3A_334, %mul3A_335 : i32
      %add3A_337 = arith.addi %mul3A_39, %mul3A_336 : i32
      %dma_wait3A_338 = arith.constant 2 : i32
      %dma_wait3A_339 = arith.constant 0 : i32
      %dma_wait3A_340 = tpu.memref_slice %arg4[%dma_wait3A_338, %dma_wait3A_339] : memref<4x18432xf32, #tpu.memory_space<vmem>> -> memref<1x18432xf32, #tpu.memory_space<vmem>>
      %dma_wait3A_341 = tpu.memref_squeeze %dma_wait3A_340 : memref<1x18432xf32, #tpu.memory_space<vmem>> -> memref<18432xf32, #tpu.memory_space<vmem>>
      %dma_wait3A_342 = tpu.memref_slice %arg2[%add3A_337] : memref<25165824xf32, #tpu.memory_space<hbm>> -> memref<18432xf32, #tpu.memory_space<hbm>>
      %dma_wait3A_343 = arith.constant 0 : i32
      %dma_wait3A_344 = tpu.memref_slice %arg4[%dma_wait3A_338, %dma_wait3A_343] : memref<4x18432xf32, #tpu.memory_space<vmem>> -> memref<1x18432xf32, #tpu.memory_space<vmem>>
      %dma_wait3A_345 = tpu.memref_squeeze %dma_wait3A_344 : memref<1x18432xf32, #tpu.memory_space<vmem>> -> memref<18432xf32, #tpu.memory_space<vmem>>
      %dma_wait3A_346 = tpu.memref_slice %arg2[%add3A_337] : memref<25165824xf32, #tpu.memory_space<hbm>> -> memref<18432xf32, #tpu.memory_space<hbm>>
      tpu.wait_dma2 semaphore(%arg8 : memref<!tpu.dma_semaphore, #tpu.memory_space<semaphore_mem>>) src(%dma_wait3A_346 : memref<18432xf32, #tpu.memory_space<hbm>>) dst(%dma_wait3A_345 : memref<18432xf32, #tpu.memory_space<vmem>>)
      %scan3A_347 = arith.constant 0 : i32
      %scan3A_348 = arith.constant 0 : i32
      %scan3A_349 = arith.constant 48 : i32
      %scan3A_350 = arith.addi %scan3A_348, %scan3A_349 : i32
      %scan3A_351 = arith.constant 1 : i32
      scf.for %scan3A_395 = %scan3A_348 to %scan3A_350 step %scan3A_351  : i32 {
        %mul3A_396 = arith.constant 16 : i32
        %mul3A_397 = arith.muli %scan3A_395, %mul3A_396 : i32
        %get3A = arith.index_cast %mul3A_397 : i32 to index
        %get3A_398 = tpu.vector_load %arg5[%get3A] {strides = array<i32>} : memref<768xf32, #tpu.memory_space<vmem>>, vector<16xf32>,
        %get3A_399 = vector.shape_cast %get3A_398 : vector<16xf32> to vector<16xf32>
        %add3A_400 = arith.constant 0 : i32
        %add3A_401 = arith.addi %mul3A_397, %add3A_400 : i32
        %get3A_402 = arith.constant 2 : i32
        %get3A_403 = arith.index_cast %get3A_402 : i32 to index
        %get3A_404 = arith.index_cast %add3A_401 : i32 to index
        %get3A_405 = tpu.vector_load %arg4[%get3A_403, %get3A_404] {strides = array<i32>} : memref<4x18432xf32, #tpu.memory_space<vmem>>, vector<1x16xf32>,
        %get3A_406 = vector.shape_cast %get3A_405 : vector<1x16xf32> to vector<16xf32>
        %add3A_407 = arith.addf %get3A_399, %get3A_406 : vector<16xf32>
        %add3A_408 = arith.constant 768 : i32
        %add3A_409 = arith.addi %mul3A_397, %add3A_408 : i32
        %get3A_410 = arith.constant 2 : i32
        %get3A_411 = arith.index_cast %get3A_410 : i32 to index
        %get3A_412 = arith.index_cast %add3A_409 : i32 to index
        %get3A_413 = tpu.vector_load %arg4[%get3A_411, %get3A_412] {strides = array<i32>} : memref<4x18432xf32, #tpu.memory_space<vmem>>, vector<1x16xf32>,
        %get3A_414 = vector.shape_cast %get3A_413 : vector<1x16xf32> to vector<16xf32>
        %add3A_415 = arith.addf %broadcast_in_dim3A_233, %get3A_414 : vector<16xf32>
        %add3A_416 = arith.constant 1536 : i32
        %add3A_417 = arith.addi %mul3A_397, %add3A_416 : i32
        %get3A_418 = arith.constant 2 : i32
        %get3A_419 = arith.index_cast %get3A_418 : i32 to index
        %get3A_420 = arith.index_cast %add3A_417 : i32 to index
        %get3A_421 = tpu.vector_load %arg4[%get3A_419, %get3A_420] {strides = array<i32>} : memref<4x18432xf32, #tpu.memory_space<vmem>>, vector<1x16xf32>,
        %get3A_422 = vector.shape_cast %get3A_421 : vector<1x16xf32> to vector<16xf32>
        %add3A_423 = arith.addf %broadcast_in_dim3A_233, %get3A_422 : vector<16xf32>
        %add3A_424 = arith.constant 2304 : i32
        %add3A_425 = arith.addi %mul3A_397, %add3A_424 : i32
        %get3A_426 = arith.constant 2 : i32
        %get3A_427 = arith.index_cast %get3A_426 : i32 to index
        %get3A_428 = arith.index_cast %add3A_425 : i32 to index
        %get3A_429 = tpu.vector_load %arg4[%get3A_427, %get3A_428] {strides = array<i32>} : memref<4x18432xf32, #tpu.memory_space<vmem>>, vector<1x16xf32>,
        %get3A_430 = vector.shape_cast %get3A_429 : vector<1x16xf32> to vector<16xf32>
        %add3A_431 = arith.addf %broadcast_in_dim3A_233, %get3A_430 : vector<16xf32>
        %add3A_432 = arith.constant 3072 : i32
        %add3A_433 = arith.addi %mul3A_397, %add3A_432 : i32
        %get3A_434 = arith.constant 2 : i32
        %get3A_435 = arith.index_cast %get3A_434 : i32 to index
        %get3A_436 = arith.index_cast %add3A_433 : i32 to index
        %get3A_437 = tpu.vector_load %arg4[%get3A_435, %get3A_436] {strides = array<i32>} : memref<4x18432xf32, #tpu.memory_space<vmem>>, vector<1x16xf32>,
        %get3A_438 = vector.shape_cast %get3A_437 : vector<1x16xf32> to vector<16xf32>
        %add3A_439 = arith.addf %add3A_407, %get3A_438 : vector<16xf32>
        %add3A_440 = arith.constant 3840 : i32
        %add3A_441 = arith.addi %mul3A_397, %add3A_440 : i32
        %get3A_442 = arith.constant 2 : i32
        %get3A_443 = arith.index_cast %get3A_442 : i32 to index
        %get3A_444 = arith.index_cast %add3A_441 : i32 to index
        %get3A_445 = tpu.vector_load %arg4[%get3A_443, %get3A_444] {strides = array<i32>} : memref<4x18432xf32, #tpu.memory_space<vmem>>, vector<1x16xf32>,
        %get3A_446 = vector.shape_cast %get3A_445 : vector<1x16xf32> to vector<16xf32>
        %add3A_447 = arith.addf %add3A_415, %get3A_446 : vector<16xf32>
        %add3A_448 = arith.constant 4608 : i32
        %add3A_449 = arith.addi %mul3A_397, %add3A_448 : i32
        %get3A_450 = arith.constant 2 : i32
        %get3A_451 = arith.index_cast %get3A_450 : i32 to index
        %get3A_452 = arith.index_cast %add3A_449 : i32 to index
        %get3A_453 = tpu.vector_load %arg4[%get3A_451, %get3A_452] {strides = array<i32>} : memref<4x18432xf32, #tpu.memory_space<vmem>>, vector<1x16xf32>,
        %get3A_454 = vector.shape_cast %get3A_453 : vector<1x16xf32> to vector<16xf32>
        %add3A_455 = arith.addf %add3A_423, %get3A_454 : vector<16xf32>
        %add3A_456 = arith.constant 5376 : i32
        %add3A_457 = arith.addi %mul3A_397, %add3A_456 : i32
        %get3A_458 = arith.constant 2 : i32
        %get3A_459 = arith.index_cast %get3A_458 : i32 to index
        %get3A_460 = arith.index_cast %add3A_457 : i32 to index
        %get3A_461 = tpu.vector_load %arg4[%get3A_459, %get3A_460] {strides = array<i32>} : memref<4x18432xf32, #tpu.memory_space<vmem>>, vector<1x16xf32>,
        %get3A_462 = vector.shape_cast %get3A_461 : vector<1x16xf32> to vector<16xf32>
        %add3A_463 = arith.addf %add3A_431, %get3A_462 : vector<16xf32>
        %add3A_464 = arith.constant 6144 : i32
        %add3A_465 = arith.addi %mul3A_397, %add3A_464 : i32
        %get3A_466 = arith.constant 2 : i32
        %get3A_467 = arith.index_cast %get3A_466 : i32 to index
        %get3A_468 = arith.index_cast %add3A_465 : i32 to index
        %get3A_469 = tpu.vector_load %arg4[%get3A_467, %get3A_468] {strides = array<i32>} : memref<4x18432xf32, #tpu.memory_space<vmem>>, vector<1x16xf32>,
        %get3A_470 = vector.shape_cast %get3A_469 : vector<1x16xf32> to vector<16xf32>
        %add3A_471 = arith.addf %add3A_439, %get3A_470 : vector<16xf32>
        %add3A_472 = arith.constant 6912 : i32
        %add3A_473 = arith.addi %mul3A_397, %add3A_472 : i32
        %get3A_474 = arith.constant 2 : i32
        %get3A_475 = arith.index_cast %get3A_474 : i32 to index
        %get3A_476 = arith.index_cast %add3A_473 : i32 to index
        %get3A_477 = tpu.vector_load %arg4[%get3A_475, %get3A_476] {strides = array<i32>} : memref<4x18432xf32, #tpu.memory_space<vmem>>, vector<1x16xf32>,
        %get3A_478 = vector.shape_cast %get3A_477 : vector<1x16xf32> to vector<16xf32>
        %add3A_479 = arith.addf %add3A_447, %get3A_478 : vector<16xf32>
        %add3A_480 = arith.constant 7680 : i32
        %add3A_481 = arith.addi %mul3A_397, %add3A_480 : i32
        %get3A_482 = arith.constant 2 : i32
        %get3A_483 = arith.index_cast %get3A_482 : i32 to index
        %get3A_484 = arith.index_cast %add3A_481 : i32 to index
        %get3A_485 = tpu.vector_load %arg4[%get3A_483, %get3A_484] {strides = array<i32>} : memref<4x18432xf32, #tpu.memory_space<vmem>>, vector<1x16xf32>,
        %get3A_486 = vector.shape_cast %get3A_485 : vector<1x16xf32> to vector<16xf32>
        %add3A_487 = arith.addf %add3A_455, %get3A_486 : vector<16xf32>
        %add3A_488 = arith.constant 8448 : i32
        %add3A_489 = arith.addi %mul3A_397, %add3A_488 : i32
        %get3A_490 = arith.constant 2 : i32
        %get3A_491 = arith.index_cast %get3A_490 : i32 to index
        %get3A_492 = arith.index_cast %add3A_489 : i32 to index
        %get3A_493 = tpu.vector_load %arg4[%get3A_491, %get3A_492] {strides = array<i32>} : memref<4x18432xf32, #tpu.memory_space<vmem>>, vector<1x16xf32>,
        %get3A_494 = vector.shape_cast %get3A_493 : vector<1x16xf32> to vector<16xf32>
        %add3A_495 = arith.addf %add3A_463, %get3A_494 : vector<16xf32>
        %add3A_496 = arith.constant 9216 : i32
        %add3A_497 = arith.addi %mul3A_397, %add3A_496 : i32
        %get3A_498 = arith.constant 2 : i32
        %get3A_499 = arith.index_cast %get3A_498 : i32 to index
        %get3A_500 = arith.index_cast %add3A_497 : i32 to index
        %get3A_501 = tpu.vector_load %arg4[%get3A_499, %get3A_500] {strides = array<i32>} : memref<4x18432xf32, #tpu.memory_space<vmem>>, vector<1x16xf32>,
        %get3A_502 = vector.shape_cast %get3A_501 : vector<1x16xf32> to vector<16xf32>
        %add3A_503 = arith.addf %add3A_471, %get3A_502 : vector<16xf32>
        %add3A_504 = arith.constant 9984 : i32
        %add3A_505 = arith.addi %mul3A_397, %add3A_504 : i32
        %get3A_506 = arith.constant 2 : i32
        %get3A_507 = arith.index_cast %get3A_506 : i32 to index
        %get3A_508 = arith.index_cast %add3A_505 : i32 to index
        %get3A_509 = tpu.vector_load %arg4[%get3A_507, %get3A_508] {strides = array<i32>} : memref<4x18432xf32, #tpu.memory_space<vmem>>, vector<1x16xf32>,
        %get3A_510 = vector.shape_cast %get3A_509 : vector<1x16xf32> to vector<16xf32>
        %add3A_511 = arith.addf %add3A_479, %get3A_510 : vector<16xf32>
        %add3A_512 = arith.constant 10752 : i32
        %add3A_513 = arith.addi %mul3A_397, %add3A_512 : i32
        %get3A_514 = arith.constant 2 : i32
        %get3A_515 = arith.index_cast %get3A_514 : i32 to index
        %get3A_516 = arith.index_cast %add3A_513 : i32 to index
        %get3A_517 = tpu.vector_load %arg4[%get3A_515, %get3A_516] {strides = array<i32>} : memref<4x18432xf32, #tpu.memory_space<vmem>>, vector<1x16xf32>,
        %get3A_518 = vector.shape_cast %get3A_517 : vector<1x16xf32> to vector<16xf32>
        %add3A_519 = arith.addf %add3A_487, %get3A_518 : vector<16xf32>
        %add3A_520 = arith.constant 11520 : i32
        %add3A_521 = arith.addi %mul3A_397, %add3A_520 : i32
        %get3A_522 = arith.constant 2 : i32
        %get3A_523 = arith.index_cast %get3A_522 : i32 to index
        %get3A_524 = arith.index_cast %add3A_521 : i32 to index
        %get3A_525 = tpu.vector_load %arg4[%get3A_523, %get3A_524] {strides = array<i32>} : memref<4x18432xf32, #tpu.memory_space<vmem>>, vector<1x16xf32>,
        %get3A_526 = vector.shape_cast %get3A_525 : vector<1x16xf32> to vector<16xf32>
        %add3A_527 = arith.addf %add3A_495, %get3A_526 : vector<16xf32>
        %add3A_528 = arith.constant 12288 : i32
        %add3A_529 = arith.addi %mul3A_397, %add3A_528 : i32
        %get3A_530 = arith.constant 2 : i32
        %get3A_531 = arith.index_cast %get3A_530 : i32 to index
        %get3A_532 = arith.index_cast %add3A_529 : i32 to index
        %get3A_533 = tpu.vector_load %arg4[%get3A_531, %get3A_532] {strides = array<i32>} : memref<4x18432xf32, #tpu.memory_space<vmem>>, vector<1x16xf32>,
        %get3A_534 = vector.shape_cast %get3A_533 : vector<1x16xf32> to vector<16xf32>
        %add3A_535 = arith.addf %add3A_503, %get3A_534 : vector<16xf32>
        %add3A_536 = arith.constant 13056 : i32
        %add3A_537 = arith.addi %mul3A_397, %add3A_536 : i32
        %get3A_538 = arith.constant 2 : i32
        %get3A_539 = arith.index_cast %get3A_538 : i32 to index
        %get3A_540 = arith.index_cast %add3A_537 : i32 to index
        %get3A_541 = tpu.vector_load %arg4[%get3A_539, %get3A_540] {strides = array<i32>} : memref<4x18432xf32, #tpu.memory_space<vmem>>, vector<1x16xf32>,
        %get3A_542 = vector.shape_cast %get3A_541 : vector<1x16xf32> to vector<16xf32>
        %add3A_543 = arith.addf %add3A_511, %get3A_542 : vector<16xf32>
        %add3A_544 = arith.constant 13824 : i32
        %add3A_545 = arith.addi %mul3A_397, %add3A_544 : i32
        %get3A_546 = arith.constant 2 : i32
        %get3A_547 = arith.index_cast %get3A_546 : i32 to index
        %get3A_548 = arith.index_cast %add3A_545 : i32 to index
        %get3A_549 = tpu.vector_load %arg4[%get3A_547, %get3A_548] {strides = array<i32>} : memref<4x18432xf32, #tpu.memory_space<vmem>>, vector<1x16xf32>,
        %get3A_550 = vector.shape_cast %get3A_549 : vector<1x16xf32> to vector<16xf32>
        %add3A_551 = arith.addf %add3A_519, %get3A_550 : vector<16xf32>
        %add3A_552 = arith.constant 14592 : i32
        %add3A_553 = arith.addi %mul3A_397, %add3A_552 : i32
        %get3A_554 = arith.constant 2 : i32
        %get3A_555 = arith.index_cast %get3A_554 : i32 to index
        %get3A_556 = arith.index_cast %add3A_553 : i32 to index
        %get3A_557 = tpu.vector_load %arg4[%get3A_555, %get3A_556] {strides = array<i32>} : memref<4x18432xf32, #tpu.memory_space<vmem>>, vector<1x16xf32>,
        %get3A_558 = vector.shape_cast %get3A_557 : vector<1x16xf32> to vector<16xf32>
        %add3A_559 = arith.addf %add3A_527, %get3A_558 : vector<16xf32>
        %add3A_560 = arith.constant 15360 : i32
        %add3A_561 = arith.addi %mul3A_397, %add3A_560 : i32
        %get3A_562 = arith.constant 2 : i32
        %get3A_563 = arith.index_cast %get3A_562 : i32 to index
        %get3A_564 = arith.index_cast %add3A_561 : i32 to index
        %get3A_565 = tpu.vector_load %arg4[%get3A_563, %get3A_564] {strides = array<i32>} : memref<4x18432xf32, #tpu.memory_space<vmem>>, vector<1x16xf32>,
        %get3A_566 = vector.shape_cast %get3A_565 : vector<1x16xf32> to vector<16xf32>
        %add3A_567 = arith.addf %add3A_535, %get3A_566 : vector<16xf32>
        %add3A_568 = arith.constant 16128 : i32
        %add3A_569 = arith.addi %mul3A_397, %add3A_568 : i32
        %get3A_570 = arith.constant 2 : i32
        %get3A_571 = arith.index_cast %get3A_570 : i32 to index
        %get3A_572 = arith.index_cast %add3A_569 : i32 to index
        %get3A_573 = tpu.vector_load %arg4[%get3A_571, %get3A_572] {strides = array<i32>} : memref<4x18432xf32, #tpu.memory_space<vmem>>, vector<1x16xf32>,
        %get3A_574 = vector.shape_cast %get3A_573 : vector<1x16xf32> to vector<16xf32>
        %add3A_575 = arith.addf %add3A_543, %get3A_574 : vector<16xf32>
        %add3A_576 = arith.constant 16896 : i32
        %add3A_577 = arith.addi %mul3A_397, %add3A_576 : i32
        %get3A_578 = arith.constant 2 : i32
        %get3A_579 = arith.index_cast %get3A_578 : i32 to index
        %get3A_580 = arith.index_cast %add3A_577 : i32 to index
        %get3A_581 = tpu.vector_load %arg4[%get3A_579, %get3A_580] {strides = array<i32>} : memref<4x18432xf32, #tpu.memory_space<vmem>>, vector<1x16xf32>,
        %get3A_582 = vector.shape_cast %get3A_581 : vector<1x16xf32> to vector<16xf32>
        %add3A_583 = arith.addf %add3A_551, %get3A_582 : vector<16xf32>
        %add3A_584 = arith.constant 17664 : i32
        %add3A_585 = arith.addi %mul3A_397, %add3A_584 : i32
        %get3A_586 = arith.constant 2 : i32
        %get3A_587 = arith.index_cast %get3A_586 : i32 to index
        %get3A_588 = arith.index_cast %add3A_585 : i32 to index
        %get3A_589 = tpu.vector_load %arg4[%get3A_587, %get3A_588] {strides = array<i32>} : memref<4x18432xf32, #tpu.memory_space<vmem>>, vector<1x16xf32>,
        %get3A_590 = vector.shape_cast %get3A_589 : vector<1x16xf32> to vector<16xf32>
        %add3A_591 = arith.addf %add3A_559, %get3A_590 : vector<16xf32>
        %add3A_592 = arith.addf %add3A_567, %add3A_575 : vector<16xf32>
        %add3A_593 = arith.addf %add3A_583, %add3A_591 : vector<16xf32>
        %add3A_594 = arith.addf %add3A_592, %add3A_593 : vector<16xf32>
        %swap3A_595 = arith.index_cast %mul3A_397 : i32 to index
        %swap3A_596 = tpu.vector_load %arg5[%swap3A_595] {strides = array<i32>} : memref<768xf32, #tpu.memory_space<vmem>>, vector<16xf32>,
        %swap3A_597 = vector.shape_cast %swap3A_596 : vector<16xf32> to vector<16xf32>
        %swap3A_598 = vector.shape_cast %add3A_594 : vector<16xf32> to vector<16xf32>
        tpu.vector_store %arg5[%swap3A_595], %swap3A_598 {strides = array<i32>} : memref<768xf32, #tpu.memory_space<vmem>>, vector<16xf32>,
      }
      %scan3A_352 = arith.constant 48 : i32
      %add3A_353 = arith.constant 2 : i32
      %add3A_354 = arith.addi %mul3A_273, %add3A_353 : i32
      %add3A_355 = arith.constant 4 : i32
      %add3A_356 = arith.addi %add3A_354, %add3A_355 : i32
      %sub3A_357 = arith.constant 1 : i32
      %sub3A_358 = arith.subi %add3A_356, %sub3A_357 : i32
      %lt3A_359 = arith.constant 8 : i32
      %lt3A_360 = arith.cmpi slt, %sub3A_358, %lt3A_359 : i32
      %convert_element_type3A_361 = arith.extui %lt3A_360 : i1 to i32
      %cond3A_362 = arith.constant 0 : i32
      %cond3A_363 = arith.cmpi ne, %convert_element_type3A_361, %cond3A_362 : i32
      scf.if %cond3A_363 {
        %add3A_395 = arith.constant 2 : i32
        %add3A_396 = arith.addi %mul3A_273, %add3A_395 : i32
        %add3A_397 = arith.constant 4 : i32
        %add3A_398 = arith.addi %add3A_396, %add3A_397 : i32
        %sub3A_399 = arith.constant 1 : i32
        %sub3A_400 = arith.subi %add3A_398, %sub3A_399 : i32
        %mul3A_401 = arith.constant 18432 : i32
        %mul3A_402 = arith.muli %sub3A_400, %mul3A_401 : i32
        %add3A_403 = arith.addi %mul3A_39, %mul3A_402 : i32
        %dma_start3A_404 = arith.constant 1 : i32
        %dma_start3A_405 = arith.constant 0 : i32
        %dma_start3A_406 = tpu.memref_slice %arg4[%dma_start3A_404, %dma_start3A_405] : memref<4x18432xf32, #tpu.memory_space<vmem>> -> memref<1x18432xf32, #tpu.memory_space<vmem>>
        %dma_start3A_407 = tpu.memref_squeeze %dma_start3A_406 : memref<1x18432xf32, #tpu.memory_space<vmem>> -> memref<18432xf32, #tpu.memory_space<vmem>>
        %dma_start3A_408 = tpu.memref_slice %arg2[%add3A_403] : memref<25165824xf32, #tpu.memory_space<hbm>> -> memref<18432xf32, #tpu.memory_space<hbm>>
        %dma_start3A_409 = arith.constant 0 : i32
        %dma_start3A_410 = tpu.memref_slice %arg4[%dma_start3A_404, %dma_start3A_409] : memref<4x18432xf32, #tpu.memory_space<vmem>> -> memref<1x18432xf32, #tpu.memory_space<vmem>>
        %dma_start3A_411 = tpu.memref_squeeze %dma_start3A_410 : memref<1x18432xf32, #tpu.memory_space<vmem>> -> memref<18432xf32, #tpu.memory_space<vmem>>
        %dma_start3A_412 = tpu.memref_slice %arg2[%add3A_403] : memref<25165824xf32, #tpu.memory_space<hbm>> -> memref<18432xf32, #tpu.memory_space<hbm>>
        tpu.enqueue_dma source(%dma_start3A_412 : memref<18432xf32, #tpu.memory_space<hbm>>) target(%dma_start3A_411 : memref<18432xf32, #tpu.memory_space<vmem>>) target_semaphore(%arg7 : memref<!tpu.dma_semaphore, #tpu.memory_space<semaphore_mem>>)
      } else {
      }
      %add3A_364 = arith.constant 3 : i32
      %add3A_365 = arith.addi %mul3A_273, %add3A_364 : i32
      %mul3A_366 = arith.constant 18432 : i32
      %mul3A_367 = arith.muli %add3A_365, %mul3A_366 : i32
      %add3A_368 = arith.addi %mul3A_39, %mul3A_367 : i32
      %dma_wait3A_369 = arith.constant 3 : i32
      %dma_wait3A_370 = arith.constant 0 : i32
      %dma_wait3A_371 = tpu.memref_slice %arg4[%dma_wait3A_369, %dma_wait3A_370] : memref<4x18432xf32, #tpu.memory_space<vmem>> -> memref<1x18432xf32, #tpu.memory_space<vmem>>
      %dma_wait3A_372 = tpu.memref_squeeze %dma_wait3A_371 : memref<1x18432xf32, #tpu.memory_space<vmem>> -> memref<18432xf32, #tpu.memory_space<vmem>>
      %dma_wait3A_373 = tpu.memref_slice %arg2[%add3A_368] : memref<25165824xf32, #tpu.memory_space<hbm>> -> memref<18432xf32, #tpu.memory_space<hbm>>
      %dma_wait3A_374 = arith.constant 0 : i32
      %dma_wait3A_375 = tpu.memref_slice %arg4[%dma_wait3A_369, %dma_wait3A_374] : memref<4x18432xf32, #tpu.memory_space<vmem>> -> memref<1x18432xf32, #tpu.memory_space<vmem>>
      %dma_wait3A_376 = tpu.memref_squeeze %dma_wait3A_375 : memref<1x18432xf32, #tpu.memory_space<vmem>> -> memref<18432xf32, #tpu.memory_space<vmem>>
      %dma_wait3A_377 = tpu.memref_slice %arg2[%add3A_368] : memref<25165824xf32, #tpu.memory_space<hbm>> -> memref<18432xf32, #tpu.memory_space<hbm>>
      tpu.wait_dma2 semaphore(%arg9 : memref<!tpu.dma_semaphore, #tpu.memory_space<semaphore_mem>>) src(%dma_wait3A_377 : memref<18432xf32, #tpu.memory_space<hbm>>) dst(%dma_wait3A_376 : memref<18432xf32, #tpu.memory_space<vmem>>)
      %scan3A_378 = arith.constant 0 : i32
      %scan3A_379 = arith.constant 0 : i32
      %scan3A_380 = arith.constant 48 : i32
      %scan3A_381 = arith.addi %scan3A_379, %scan3A_380 : i32
      %scan3A_382 = arith.constant 1 : i32
      scf.for %scan3A_395 = %scan3A_379 to %scan3A_381 step %scan3A_382  : i32 {
        %mul3A_396 = arith.constant 16 : i32
        %mul3A_397 = arith.muli %scan3A_395, %mul3A_396 : i32
        %get3A = arith.index_cast %mul3A_397 : i32 to index
        %get3A_398 = tpu.vector_load %arg5[%get3A] {strides = array<i32>} : memref<768xf32, #tpu.memory_space<vmem>>, vector<16xf32>,
        %get3A_399 = vector.shape_cast %get3A_398 : vector<16xf32> to vector<16xf32>
        %add3A_400 = arith.constant 0 : i32
        %add3A_401 = arith.addi %mul3A_397, %add3A_400 : i32
        %get3A_402 = arith.constant 3 : i32
        %get3A_403 = arith.index_cast %get3A_402 : i32 to index
        %get3A_404 = arith.index_cast %add3A_401 : i32 to index
        %get3A_405 = tpu.vector_load %arg4[%get3A_403, %get3A_404] {strides = array<i32>} : memref<4x18432xf32, #tpu.memory_space<vmem>>, vector<1x16xf32>,
        %get3A_406 = vector.shape_cast %get3A_405 : vector<1x16xf32> to vector<16xf32>
        %add3A_407 = arith.addf %get3A_399, %get3A_406 : vector<16xf32>
        %add3A_408 = arith.constant 768 : i32
        %add3A_409 = arith.addi %mul3A_397, %add3A_408 : i32
        %get3A_410 = arith.constant 3 : i32
        %get3A_411 = arith.index_cast %get3A_410 : i32 to index
        %get3A_412 = arith.index_cast %add3A_409 : i32 to index
        %get3A_413 = tpu.vector_load %arg4[%get3A_411, %get3A_412] {strides = array<i32>} : memref<4x18432xf32, #tpu.memory_space<vmem>>, vector<1x16xf32>,
        %get3A_414 = vector.shape_cast %get3A_413 : vector<1x16xf32> to vector<16xf32>
        %add3A_415 = arith.addf %broadcast_in_dim3A_233, %get3A_414 : vector<16xf32>
        %add3A_416 = arith.constant 1536 : i32
        %add3A_417 = arith.addi %mul3A_397, %add3A_416 : i32
        %get3A_418 = arith.constant 3 : i32
        %get3A_419 = arith.index_cast %get3A_418 : i32 to index
        %get3A_420 = arith.index_cast %add3A_417 : i32 to index
        %get3A_421 = tpu.vector_load %arg4[%get3A_419, %get3A_420] {strides = array<i32>} : memref<4x18432xf32, #tpu.memory_space<vmem>>, vector<1x16xf32>,
        %get3A_422 = vector.shape_cast %get3A_421 : vector<1x16xf32> to vector<16xf32>
        %add3A_423 = arith.addf %broadcast_in_dim3A_233, %get3A_422 : vector<16xf32>
        %add3A_424 = arith.constant 2304 : i32
        %add3A_425 = arith.addi %mul3A_397, %add3A_424 : i32
        %get3A_426 = arith.constant 3 : i32
        %get3A_427 = arith.index_cast %get3A_426 : i32 to index
        %get3A_428 = arith.index_cast %add3A_425 : i32 to index
        %get3A_429 = tpu.vector_load %arg4[%get3A_427, %get3A_428] {strides = array<i32>} : memref<4x18432xf32, #tpu.memory_space<vmem>>, vector<1x16xf32>,
        %get3A_430 = vector.shape_cast %get3A_429 : vector<1x16xf32> to vector<16xf32>
        %add3A_431 = arith.addf %broadcast_in_dim3A_233, %get3A_430 : vector<16xf32>
        %add3A_432 = arith.constant 3072 : i32
        %add3A_433 = arith.addi %mul3A_397, %add3A_432 : i32
        %get3A_434 = arith.constant 3 : i32
        %get3A_435 = arith.index_cast %get3A_434 : i32 to index
        %get3A_436 = arith.index_cast %add3A_433 : i32 to index
        %get3A_437 = tpu.vector_load %arg4[%get3A_435, %get3A_436] {strides = array<i32>} : memref<4x18432xf32, #tpu.memory_space<vmem>>, vector<1x16xf32>,
        %get3A_438 = vector.shape_cast %get3A_437 : vector<1x16xf32> to vector<16xf32>
        %add3A_439 = arith.addf %add3A_407, %get3A_438 : vector<16xf32>
        %add3A_440 = arith.constant 3840 : i32
        %add3A_441 = arith.addi %mul3A_397, %add3A_440 : i32
        %get3A_442 = arith.constant 3 : i32
        %get3A_443 = arith.index_cast %get3A_442 : i32 to index
        %get3A_444 = arith.index_cast %add3A_441 : i32 to index
        %get3A_445 = tpu.vector_load %arg4[%get3A_443, %get3A_444] {strides = array<i32>} : memref<4x18432xf32, #tpu.memory_space<vmem>>, vector<1x16xf32>,
        %get3A_446 = vector.shape_cast %get3A_445 : vector<1x16xf32> to vector<16xf32>
        %add3A_447 = arith.addf %add3A_415, %get3A_446 : vector<16xf32>
        %add3A_448 = arith.constant 4608 : i32
        %add3A_449 = arith.addi %mul3A_397, %add3A_448 : i32
        %get3A_450 = arith.constant 3 : i32
        %get3A_451 = arith.index_cast %get3A_450 : i32 to index
        %get3A_452 = arith.index_cast %add3A_449 : i32 to index
        %get3A_453 = tpu.vector_load %arg4[%get3A_451, %get3A_452] {strides = array<i32>} : memref<4x18432xf32, #tpu.memory_space<vmem>>, vector<1x16xf32>,
        %get3A_454 = vector.shape_cast %get3A_453 : vector<1x16xf32> to vector<16xf32>
        %add3A_455 = arith.addf %add3A_423, %get3A_454 : vector<16xf32>
        %add3A_456 = arith.constant 5376 : i32
        %add3A_457 = arith.addi %mul3A_397, %add3A_456 : i32
        %get3A_458 = arith.constant 3 : i32
        %get3A_459 = arith.index_cast %get3A_458 : i32 to index
        %get3A_460 = arith.index_cast %add3A_457 : i32 to index
        %get3A_461 = tpu.vector_load %arg4[%get3A_459, %get3A_460] {strides = array<i32>} : memref<4x18432xf32, #tpu.memory_space<vmem>>, vector<1x16xf32>,
        %get3A_462 = vector.shape_cast %get3A_461 : vector<1x16xf32> to vector<16xf32>
        %add3A_463 = arith.addf %add3A_431, %get3A_462 : vector<16xf32>
        %add3A_464 = arith.constant 6144 : i32
        %add3A_465 = arith.addi %mul3A_397, %add3A_464 : i32
        %get3A_466 = arith.constant 3 : i32
        %get3A_467 = arith.index_cast %get3A_466 : i32 to index
        %get3A_468 = arith.index_cast %add3A_465 : i32 to index
        %get3A_469 = tpu.vector_load %arg4[%get3A_467, %get3A_468] {strides = array<i32>} : memref<4x18432xf32, #tpu.memory_space<vmem>>, vector<1x16xf32>,
        %get3A_470 = vector.shape_cast %get3A_469 : vector<1x16xf32> to vector<16xf32>
        %add3A_471 = arith.addf %add3A_439, %get3A_470 : vector<16xf32>
        %add3A_472 = arith.constant 6912 : i32
        %add3A_473 = arith.addi %mul3A_397, %add3A_472 : i32
        %get3A_474 = arith.constant 3 : i32
        %get3A_475 = arith.index_cast %get3A_474 : i32 to index
        %get3A_476 = arith.index_cast %add3A_473 : i32 to index
        %get3A_477 = tpu.vector_load %arg4[%get3A_475, %get3A_476] {strides = array<i32>} : memref<4x18432xf32, #tpu.memory_space<vmem>>, vector<1x16xf32>,
        %get3A_478 = vector.shape_cast %get3A_477 : vector<1x16xf32> to vector<16xf32>
        %add3A_479 = arith.addf %add3A_447, %get3A_478 : vector<16xf32>
        %add3A_480 = arith.constant 7680 : i32
        %add3A_481 = arith.addi %mul3A_397, %add3A_480 : i32
        %get3A_482 = arith.constant 3 : i32
        %get3A_483 = arith.index_cast %get3A_482 : i32 to index
        %get3A_484 = arith.index_cast %add3A_481 : i32 to index
        %get3A_485 = tpu.vector_load %arg4[%get3A_483, %get3A_484] {strides = array<i32>} : memref<4x18432xf32, #tpu.memory_space<vmem>>, vector<1x16xf32>,
        %get3A_486 = vector.shape_cast %get3A_485 : vector<1x16xf32> to vector<16xf32>
        %add3A_487 = arith.addf %add3A_455, %get3A_486 : vector<16xf32>
        %add3A_488 = arith.constant 8448 : i32
        %add3A_489 = arith.addi %mul3A_397, %add3A_488 : i32
        %get3A_490 = arith.constant 3 : i32
        %get3A_491 = arith.index_cast %get3A_490 : i32 to index
        %get3A_492 = arith.index_cast %add3A_489 : i32 to index
        %get3A_493 = tpu.vector_load %arg4[%get3A_491, %get3A_492] {strides = array<i32>} : memref<4x18432xf32, #tpu.memory_space<vmem>>, vector<1x16xf32>,
        %get3A_494 = vector.shape_cast %get3A_493 : vector<1x16xf32> to vector<16xf32>
        %add3A_495 = arith.addf %add3A_463, %get3A_494 : vector<16xf32>
        %add3A_496 = arith.constant 9216 : i32
        %add3A_497 = arith.addi %mul3A_397, %add3A_496 : i32
        %get3A_498 = arith.constant 3 : i32
        %get3A_499 = arith.index_cast %get3A_498 : i32 to index
        %get3A_500 = arith.index_cast %add3A_497 : i32 to index
        %get3A_501 = tpu.vector_load %arg4[%get3A_499, %get3A_500] {strides = array<i32>} : memref<4x18432xf32, #tpu.memory_space<vmem>>, vector<1x16xf32>,
        %get3A_502 = vector.shape_cast %get3A_501 : vector<1x16xf32> to vector<16xf32>
        %add3A_503 = arith.addf %add3A_471, %get3A_502 : vector<16xf32>
        %add3A_504 = arith.constant 9984 : i32
        %add3A_505 = arith.addi %mul3A_397, %add3A_504 : i32
        %get3A_506 = arith.constant 3 : i32
        %get3A_507 = arith.index_cast %get3A_506 : i32 to index
        %get3A_508 = arith.index_cast %add3A_505 : i32 to index
        %get3A_509 = tpu.vector_load %arg4[%get3A_507, %get3A_508] {strides = array<i32>} : memref<4x18432xf32, #tpu.memory_space<vmem>>, vector<1x16xf32>,
        %get3A_510 = vector.shape_cast %get3A_509 : vector<1x16xf32> to vector<16xf32>
        %add3A_511 = arith.addf %add3A_479, %get3A_510 : vector<16xf32>
        %add3A_512 = arith.constant 10752 : i32
        %add3A_513 = arith.addi %mul3A_397, %add3A_512 : i32
        %get3A_514 = arith.constant 3 : i32
        %get3A_515 = arith.index_cast %get3A_514 : i32 to index
        %get3A_516 = arith.index_cast %add3A_513 : i32 to index
        %get3A_517 = tpu.vector_load %arg4[%get3A_515, %get3A_516] {strides = array<i32>} : memref<4x18432xf32, #tpu.memory_space<vmem>>, vector<1x16xf32>,
        %get3A_518 = vector.shape_cast %get3A_517 : vector<1x16xf32> to vector<16xf32>
        %add3A_519 = arith.addf %add3A_487, %get3A_518 : vector<16xf32>
        %add3A_520 = arith.constant 11520 : i32
        %add3A_521 = arith.addi %mul3A_397, %add3A_520 : i32
        %get3A_522 = arith.constant 3 : i32
        %get3A_523 = arith.index_cast %get3A_522 : i32 to index
        %get3A_524 = arith.index_cast %add3A_521 : i32 to index
        %get3A_525 = tpu.vector_load %arg4[%get3A_523, %get3A_524] {strides = array<i32>} : memref<4x18432xf32, #tpu.memory_space<vmem>>, vector<1x16xf32>,
        %get3A_526 = vector.shape_cast %get3A_525 : vector<1x16xf32> to vector<16xf32>
        %add3A_527 = arith.addf %add3A_495, %get3A_526 : vector<16xf32>
        %add3A_528 = arith.constant 12288 : i32
        %add3A_529 = arith.addi %mul3A_397, %add3A_528 : i32
        %get3A_530 = arith.constant 3 : i32
        %get3A_531 = arith.index_cast %get3A_530 : i32 to index
        %get3A_532 = arith.index_cast %add3A_529 : i32 to index
        %get3A_533 = tpu.vector_load %arg4[%get3A_531, %get3A_532] {strides = array<i32>} : memref<4x18432xf32, #tpu.memory_space<vmem>>, vector<1x16xf32>,
        %get3A_534 = vector.shape_cast %get3A_533 : vector<1x16xf32> to vector<16xf32>
        %add3A_535 = arith.addf %add3A_503, %get3A_534 : vector<16xf32>
        %add3A_536 = arith.constant 13056 : i32
        %add3A_537 = arith.addi %mul3A_397, %add3A_536 : i32
        %get3A_538 = arith.constant 3 : i32
        %get3A_539 = arith.index_cast %get3A_538 : i32 to index
        %get3A_540 = arith.index_cast %add3A_537 : i32 to index
        %get3A_541 = tpu.vector_load %arg4[%get3A_539, %get3A_540] {strides = array<i32>} : memref<4x18432xf32, #tpu.memory_space<vmem>>, vector<1x16xf32>,
        %get3A_542 = vector.shape_cast %get3A_541 : vector<1x16xf32> to vector<16xf32>
        %add3A_543 = arith.addf %add3A_511, %get3A_542 : vector<16xf32>
        %add3A_544 = arith.constant 13824 : i32
        %add3A_545 = arith.addi %mul3A_397, %add3A_544 : i32
        %get3A_546 = arith.constant 3 : i32
        %get3A_547 = arith.index_cast %get3A_546 : i32 to index
        %get3A_548 = arith.index_cast %add3A_545 : i32 to index
        %get3A_549 = tpu.vector_load %arg4[%get3A_547, %get3A_548] {strides = array<i32>} : memref<4x18432xf32, #tpu.memory_space<vmem>>, vector<1x16xf32>,
        %get3A_550 = vector.shape_cast %get3A_549 : vector<1x16xf32> to vector<16xf32>
        %add3A_551 = arith.addf %add3A_519, %get3A_550 : vector<16xf32>
        %add3A_552 = arith.constant 14592 : i32
        %add3A_553 = arith.addi %mul3A_397, %add3A_552 : i32
        %get3A_554 = arith.constant 3 : i32
        %get3A_555 = arith.index_cast %get3A_554 : i32 to index
        %get3A_556 = arith.index_cast %add3A_553 : i32 to index
        %get3A_557 = tpu.vector_load %arg4[%get3A_555, %get3A_556] {strides = array<i32>} : memref<4x18432xf32, #tpu.memory_space<vmem>>, vector<1x16xf32>,
        %get3A_558 = vector.shape_cast %get3A_557 : vector<1x16xf32> to vector<16xf32>
        %add3A_559 = arith.addf %add3A_527, %get3A_558 : vector<16xf32>
        %add3A_560 = arith.constant 15360 : i32
        %add3A_561 = arith.addi %mul3A_397, %add3A_560 : i32
        %get3A_562 = arith.constant 3 : i32
        %get3A_563 = arith.index_cast %get3A_562 : i32 to index
        %get3A_564 = arith.index_cast %add3A_561 : i32 to index
        %get3A_565 = tpu.vector_load %arg4[%get3A_563, %get3A_564] {strides = array<i32>} : memref<4x18432xf32, #tpu.memory_space<vmem>>, vector<1x16xf32>,
        %get3A_566 = vector.shape_cast %get3A_565 : vector<1x16xf32> to vector<16xf32>
        %add3A_567 = arith.addf %add3A_535, %get3A_566 : vector<16xf32>
        %add3A_568 = arith.constant 16128 : i32
        %add3A_569 = arith.addi %mul3A_397, %add3A_568 : i32
        %get3A_570 = arith.constant 3 : i32
        %get3A_571 = arith.index_cast %get3A_570 : i32 to index
        %get3A_572 = arith.index_cast %add3A_569 : i32 to index
        %get3A_573 = tpu.vector_load %arg4[%get3A_571, %get3A_572] {strides = array<i32>} : memref<4x18432xf32, #tpu.memory_space<vmem>>, vector<1x16xf32>,
        %get3A_574 = vector.shape_cast %get3A_573 : vector<1x16xf32> to vector<16xf32>
        %add3A_575 = arith.addf %add3A_543, %get3A_574 : vector<16xf32>
        %add3A_576 = arith.constant 16896 : i32
        %add3A_577 = arith.addi %mul3A_397, %add3A_576 : i32
        %get3A_578 = arith.constant 3 : i32
        %get3A_579 = arith.index_cast %get3A_578 : i32 to index
        %get3A_580 = arith.index_cast %add3A_577 : i32 to index
        %get3A_581 = tpu.vector_load %arg4[%get3A_579, %get3A_580] {strides = array<i32>} : memref<4x18432xf32, #tpu.memory_space<vmem>>, vector<1x16xf32>,
        %get3A_582 = vector.shape_cast %get3A_581 : vector<1x16xf32> to vector<16xf32>
        %add3A_583 = arith.addf %add3A_551, %get3A_582 : vector<16xf32>
        %add3A_584 = arith.constant 17664 : i32
        %add3A_585 = arith.addi %mul3A_397, %add3A_584 : i32
        %get3A_586 = arith.constant 3 : i32
        %get3A_587 = arith.index_cast %get3A_586 : i32 to index
        %get3A_588 = arith.index_cast %add3A_585 : i32 to index
        %get3A_589 = tpu.vector_load %arg4[%get3A_587, %get3A_588] {strides = array<i32>} : memref<4x18432xf32, #tpu.memory_space<vmem>>, vector<1x16xf32>,
        %get3A_590 = vector.shape_cast %get3A_589 : vector<1x16xf32> to vector<16xf32>
        %add3A_591 = arith.addf %add3A_559, %get3A_590 : vector<16xf32>
        %add3A_592 = arith.addf %add3A_567, %add3A_575 : vector<16xf32>
        %add3A_593 = arith.addf %add3A_583, %add3A_591 : vector<16xf32>
        %add3A_594 = arith.addf %add3A_592, %add3A_593 : vector<16xf32>
        %swap3A_595 = arith.index_cast %mul3A_397 : i32 to index
        %swap3A_596 = tpu.vector_load %arg5[%swap3A_595] {strides = array<i32>} : memref<768xf32, #tpu.memory_space<vmem>>, vector<16xf32>,
        %swap3A_597 = vector.shape_cast %swap3A_596 : vector<16xf32> to vector<16xf32>
        %swap3A_598 = vector.shape_cast %add3A_594 : vector<16xf32> to vector<16xf32>
        tpu.vector_store %arg5[%swap3A_595], %swap3A_598 {strides = array<i32>} : memref<768xf32, #tpu.memory_space<vmem>>, vector<16xf32>,
      }
      %scan3A_383 = arith.constant 48 : i32
      %add3A_384 = arith.constant 3 : i32
      %add3A_385 = arith.addi %mul3A_273, %add3A_384 : i32
      %add3A_386 = arith.constant 4 : i32
      %add3A_387 = arith.addi %add3A_385, %add3A_386 : i32
      %sub3A_388 = arith.constant 1 : i32
      %sub3A_389 = arith.subi %add3A_387, %sub3A_388 : i32
      %lt3A_390 = arith.constant 8 : i32
      %lt3A_391 = arith.cmpi slt, %sub3A_389, %lt3A_390 : i32
      %convert_element_type3A_392 = arith.extui %lt3A_391 : i1 to i32
      %cond3A_393 = arith.constant 0 : i32
      %cond3A_394 = arith.cmpi ne, %convert_element_type3A_392, %cond3A_393 : i32
      scf.if %cond3A_394 {
        %add3A_395 = arith.constant 3 : i32
        %add3A_396 = arith.addi %mul3A_273, %add3A_395 : i32
        %add3A_397 = arith.constant 4 : i32
        %add3A_398 = arith.addi %add3A_396, %add3A_397 : i32
        %sub3A_399 = arith.constant 1 : i32
        %sub3A_400 = arith.subi %add3A_398, %sub3A_399 : i32
        %mul3A_401 = arith.constant 18432 : i32
        %mul3A_402 = arith.muli %sub3A_400, %mul3A_401 : i32
        %add3A_403 = arith.addi %mul3A_39, %mul3A_402 : i32
        %dma_start3A_404 = arith.constant 2 : i32
        %dma_start3A_405 = arith.constant 0 : i32
        %dma_start3A_406 = tpu.memref_slice %arg4[%dma_start3A_404, %dma_start3A_405] : memref<4x18432xf32, #tpu.memory_space<vmem>> -> memref<1x18432xf32, #tpu.memory_space<vmem>>
        %dma_start3A_407 = tpu.memref_squeeze %dma_start3A_406 : memref<1x18432xf32, #tpu.memory_space<vmem>> -> memref<18432xf32, #tpu.memory_space<vmem>>
        %dma_start3A_408 = tpu.memref_slice %arg2[%add3A_403] : memref<25165824xf32, #tpu.memory_space<hbm>> -> memref<18432xf32, #tpu.memory_space<hbm>>
        %dma_start3A_409 = arith.constant 0 : i32
        %dma_start3A_410 = tpu.memref_slice %arg4[%dma_start3A_404, %dma_start3A_409] : memref<4x18432xf32, #tpu.memory_space<vmem>> -> memref<1x18432xf32, #tpu.memory_space<vmem>>
        %dma_start3A_411 = tpu.memref_squeeze %dma_start3A_410 : memref<1x18432xf32, #tpu.memory_space<vmem>> -> memref<18432xf32, #tpu.memory_space<vmem>>
        %dma_start3A_412 = tpu.memref_slice %arg2[%add3A_403] : memref<25165824xf32, #tpu.memory_space<hbm>> -> memref<18432xf32, #tpu.memory_space<hbm>>
        tpu.enqueue_dma source(%dma_start3A_412 : memref<18432xf32, #tpu.memory_space<hbm>>) target(%dma_start3A_411 : memref<18432xf32, #tpu.memory_space<vmem>>) target_semaphore(%arg8 : memref<!tpu.dma_semaphore, #tpu.memory_space<semaphore_mem>>)
      } else {
      }
    }
    %scan3A_270 = arith.constant 2 : i32
    "tpu.region"() ({
      %run_scoped3A = tpu.sem_alloc : memref<!tpu.dma_semaphore, #tpu.memory_space<semaphore_mem>>
      %dma_start3A_271 = arith.constant 0 : i32
      %dma_start3A_272 = tpu.memref_slice %arg3[%add3A, %dma_start3A_271] : memref<32x768xf32, #tpu.memory_space<hbm>> -> memref<1x768xf32, #tpu.memory_space<hbm>>
      %dma_start3A_273 = tpu.memref_squeeze %dma_start3A_272 : memref<1x768xf32, #tpu.memory_space<hbm>> -> memref<768xf32, #tpu.memory_space<hbm>>
      %dma_start3A_274 = arith.constant 0 : i32
      %dma_start3A_275 = tpu.memref_slice %arg3[%add3A, %dma_start3A_274] : memref<32x768xf32, #tpu.memory_space<hbm>> -> memref<1x768xf32, #tpu.memory_space<hbm>>
      %dma_start3A_276 = tpu.memref_squeeze %dma_start3A_275 : memref<1x768xf32, #tpu.memory_space<hbm>> -> memref<768xf32, #tpu.memory_space<hbm>>
      tpu.enqueue_dma source(%arg5 : memref<768xf32, #tpu.memory_space<vmem>>) target(%dma_start3A_276 : memref<768xf32, #tpu.memory_space<hbm>>) target_semaphore(%run_scoped3A : memref<!tpu.dma_semaphore, #tpu.memory_space<semaphore_mem>>)
      %dma_wait3A = arith.constant 0 : i32
      %dma_wait3A_277 = tpu.memref_slice %arg3[%add3A, %dma_wait3A] : memref<32x768xf32, #tpu.memory_space<hbm>> -> memref<1x768xf32, #tpu.memory_space<hbm>>
      %dma_wait3A_278 = tpu.memref_squeeze %dma_wait3A_277 : memref<1x768xf32, #tpu.memory_space<hbm>> -> memref<768xf32, #tpu.memory_space<hbm>>
      %dma_wait3A_279 = arith.constant 0 : i32
      %dma_wait3A_280 = tpu.memref_slice %arg3[%add3A, %dma_wait3A_279] : memref<32x768xf32, #tpu.memory_space<hbm>> -> memref<1x768xf32, #tpu.memory_space<hbm>>
      %dma_wait3A_281 = tpu.memref_squeeze %dma_wait3A_280 : memref<1x768xf32, #tpu.memory_space<hbm>> -> memref<768xf32, #tpu.memory_space<hbm>>
      tpu.wait_dma2 semaphore(%run_scoped3A : memref<!tpu.dma_semaphore, #tpu.memory_space<semaphore_mem>>) src(%arg5 : memref<768xf32, #tpu.memory_space<vmem>>) dst(%dma_wait3A_281 : memref<768xf32, #tpu.memory_space<hbm>>)
      tpu.yield
    }) : () -> ()
    return
  }
}

module attributes {stable_mosaic.version = 14 : i64} {
  func.func @_tc_reduce_body(%arg0: i32, %arg1: i32, %arg2: memref<1x1664x768xf32, #tpu.memory_space<vmem>>, %arg3: memref<4x768xf32, #tpu.memory_space<vmem>>) attributes {dimension_semantics = [#tpu.dimension_semantics<arbitrary>, #tpu.dimension_semantics<arbitrary>], iteration_bounds = array<i64: 4, 4>, scalar_prefetch = 0 : i64, scratch_operands = 0 : i64, tpu.core_type = #tpu.core_type<tc>, window_params = [{transform_indices = @transform_0, window_bounds = array<i64: 1, 1664, 768>}, {pipeline_mode = #tpu.pipeline_mode<synchronous>, transform_indices = @transform_1, window_bounds = array<i64: 4, 768>}]} {
    %get3A = arith.constant 0 : index
    %get3A_0 = arith.constant 0 : index
    %get3A_1 = arith.constant 0 : index
    %get3A_2 = vector.load %arg2[%get3A, %get3A_0, %get3A_1] : memref<1x1664x768xf32, #tpu.memory_space<vmem>>, vector<1x1664x768xf32>
    %get3A_3 = vector.shape_cast %get3A_2 : vector<1x1664x768xf32> to vector<1664x768xf32>
    %reduce_sum3A = arith.constant dense<0.000000e+00> : vector<768xf32>
    %reduce_sum3A_4 = vector.multi_reduction <add>, %get3A_3, %reduce_sum3A [0] : vector<1664x768xf32> to vector<768xf32>
    %broadcast_in_dim3A = vector.shape_cast %reduce_sum3A_4 : vector<768xf32> to vector<1x768xf32>
    %eq3A = arith.constant 0 : i32
    %eq3A_5 = arith.cmpi eq, %arg1, %eq3A : i32
    %convert_element_type3A = arith.extui %eq3A_5 : i1 to i32
    %cond3A = arith.constant 0 : i32
    %cond3A_6 = arith.cmpi ne, %convert_element_type3A, %cond3A : i32
    scf.if %cond3A_6 {
      %swap3A = arith.index_cast %arg0 : i32 to index
      %swap3A_11 = arith.constant 0 : index
      %swap3A_12 = vector.load %arg3[%swap3A, %swap3A_11] : memref<4x768xf32, #tpu.memory_space<vmem>>, vector<1x768xf32>
      tpu.vector_store %arg3[%swap3A, %swap3A_11], %broadcast_in_dim3A {strides = array<i32>} : memref<4x768xf32, #tpu.memory_space<vmem>>, vector<1x768xf32>,
    } else {
    }
    %gt3A = arith.constant 0 : i32
    %gt3A_7 = arith.cmpi sgt, %arg1, %gt3A : i32
    %convert_element_type3A_8 = arith.extui %gt3A_7 : i1 to i32
    %cond3A_9 = arith.constant 0 : i32
    %cond3A_10 = arith.cmpi ne, %convert_element_type3A_8, %cond3A_9 : i32
    scf.if %cond3A_10 {
      %get3A_11 = arith.index_cast %arg0 : i32 to index
      %get3A_12 = arith.constant 0 : index
      %get3A_13 = vector.load %arg3[%get3A_11, %get3A_12] : memref<4x768xf32, #tpu.memory_space<vmem>>, vector<1x768xf32>
      %add3A = arith.addf %get3A_13, %broadcast_in_dim3A : vector<1x768xf32>
      %swap3A = arith.index_cast %arg0 : i32 to index
      %swap3A_14 = arith.constant 0 : index
      %swap3A_15 = vector.load %arg3[%swap3A, %swap3A_14] : memref<4x768xf32, #tpu.memory_space<vmem>>, vector<1x768xf32>
      tpu.vector_store %arg3[%swap3A, %swap3A_14], %add3A {strides = array<i32>} : memref<4x768xf32, #tpu.memory_space<vmem>>, vector<1x768xf32>,
    } else {
    }
    return
  }
  func.func @transform_0(%arg0: i32, %arg1: i32) -> (i32, i32, i32) {
    %c0_i32 = arith.constant 0 : i32
    %c0_i32_0 = arith.constant 0 : i32
    return %arg0, %arg1, %c0_i32 : i32, i32, i32
  }
  func.func @transform_1(%arg0: i32, %arg1: i32) -> (i32, i32) {
    %c0_i32 = arith.constant 0 : i32
    %c0_i32_0 = arith.constant 0 : i32
    %c0_i32_1 = arith.constant 0 : i32
    return %c0_i32, %c0_i32_0 : i32, i32
  }
}

module attributes {stable_mosaic.version = 14 : i64} {
  func.func @_tail_body(%arg0: memref<4x768xf32, #tpu.memory_space<vmem>>, %arg1: memref<32x768xf32, #tpu.memory_space<vmem>>, %arg2: memref<768x768xf32, #tpu.memory_space<vmem>>, %arg3: memref<1x768xf32, #tpu.memory_space<vmem>>, %arg4: memref<768x64xf32, #tpu.memory_space<vmem>>, %arg5: memref<1x64xf32, #tpu.memory_space<vmem>>, %arg6: memref<4x2xf32, #tpu.memory_space<vmem>>, %arg7: memref<4x2xi32, #tpu.memory_space<vmem>>) attributes {dimension_semantics = [], scalar_prefetch = 0 : i64, scratch_operands = 0 : i64, tpu.core_type = #tpu.core_type<tc>} {
    %get3A = arith.constant 0 : index
    %get3A_0 = arith.constant 0 : index
    %get3A_1 = vector.load %arg1[%get3A, %get3A_0] : memref<32x768xf32, #tpu.memory_space<vmem>>, vector<32x768xf32>
    %get3A_2 = arith.constant 0 : index
    %get3A_3 = arith.constant 0 : index
    %get3A_4 = vector.load %arg0[%get3A_2, %get3A_3] : memref<4x768xf32, #tpu.memory_space<vmem>>, vector<4x768xf32>
    %reshape3A = vector.shape_cast %get3A_1 : vector<32x768xf32> to vector<4x8x768xf32>
    %reduce_sum3A = arith.constant dense<0.000000e+00> : vector<4x768xf32>
    %reduce_sum3A_5 = vector.multi_reduction <add>, %reshape3A, %reduce_sum3A [1] : vector<4x8x768xf32> to vector<4x768xf32>
    %add3A = arith.addf %get3A_4, %reduce_sum3A_5 : vector<4x768xf32>
    %mul3A = arith.constant 1.22070313E-4 : f32
    %mul3A_6 = vector.broadcast %mul3A : f32 to vector<4x768xf32>
    %mul3A_7 = arith.mulf %add3A, %mul3A_6 : vector<4x768xf32>
    %get3A_8 = arith.constant 0 : index
    %get3A_9 = arith.constant 0 : index
    %get3A_10 = vector.load %arg2[%get3A_8, %get3A_9] : memref<768x768xf32, #tpu.memory_space<vmem>>, vector<768x768xf32>
    %get3A_11 = arith.constant 0 : index
    %get3A_12 = arith.constant 0 : index
    %get3A_13 = vector.load %arg3[%get3A_11, %get3A_12] : memref<1x768xf32, #tpu.memory_space<vmem>>, vector<1x768xf32>
    %get3A_14 = arith.constant 0 : index
    %get3A_15 = arith.constant 0 : index
    %get3A_16 = vector.load %arg4[%get3A_14, %get3A_15] : memref<768x64xf32, #tpu.memory_space<vmem>>, vector<768x64xf32>
    %get3A_17 = arith.constant 0 : index
    %get3A_18 = arith.constant 0 : index
    %get3A_19 = vector.load %arg5[%get3A_17, %get3A_18] : memref<1x64xf32, #tpu.memory_space<vmem>>, vector<1x64xf32>
    %dot_general3A = arith.constant dense<0.000000e+00> : vector<4x768xf32>
    %dot_general3A_20 = tpu.matmul %mul3A_7, %get3A_10, %dot_general3A {dimension_numbers = #tpu.dot_dimension_numbers<[1], [0], [0], [1], [0, 0, 1, 1], [], []>, transpose_lhs_hint = false} : vector<4x768xf32>, vector<768x768xf32>, vector<4x768xf32> -> vector<4x768xf32>
    %add3A_21 = vector.broadcast %get3A_13 : vector<1x768xf32> to vector<4x768xf32>
    %add3A_22 = arith.addf %dot_general3A_20, %add3A_21 : vector<4x768xf32>
    %logistic3A = arith.negf %add3A_22 : vector<4x768xf32>
    %logistic3A_23 = math.exp %logistic3A : vector<4x768xf32>
    %logistic3A_24 = arith.constant 1.000000e+00 : f32
    %logistic3A_25 = vector.broadcast %logistic3A_24 : f32 to vector<4x768xf32>
    %logistic3A_26 = arith.addf %logistic3A_25, %logistic3A_23 : vector<4x768xf32>
    %logistic3A_27 = arith.divf %logistic3A_25, %logistic3A_26 : vector<4x768xf32>
    %mul3A_28 = arith.mulf %add3A_22, %logistic3A_27 : vector<4x768xf32>
    %dot_general3A_29 = arith.constant dense<0.000000e+00> : vector<4x64xf32>
    %dot_general3A_30 = tpu.matmul %mul3A_28, %get3A_16, %dot_general3A_29 {dimension_numbers = #tpu.dot_dimension_numbers<[1], [0], [0], [1], [0, 0, 1, 1], [], []>, transpose_lhs_hint = false} : vector<4x768xf32>, vector<768x64xf32>, vector<4x64xf32> -> vector<4x64xf32>
    %add3A_31 = vector.broadcast %get3A_19 : vector<1x64xf32> to vector<4x64xf32>
    %add3A_32 = arith.addf %dot_general3A_30, %add3A_31 : vector<4x64xf32>
    %iota3A = tpu.iota {dimensions = array<i32: 1>} : vector<4x64xi32>
    %reduce_max3A = arith.constant dense<0xFF800000> : vector<4xf32>
    %reduce_max3A_33 = vector.multi_reduction <maximumf>, %add3A_32, %reduce_max3A [1] : vector<4x64xf32> to vector<4xf32>
    %broadcast_in_dim3A = vector.shape_cast %reduce_max3A_33 : vector<4xf32> to vector<4x1xf32>
    %eq3A = vector.broadcast %broadcast_in_dim3A : vector<4x1xf32> to vector<4x64xf32>
    %eq3A_34 = arith.cmpf oeq, %add3A_32, %eq3A : vector<4x64xf32>
    %jit3A = arith.constant 64 : i32
    %broadcast_in_dim3A_35 = vector.broadcast %jit3A : i32 to vector<4x64xi32>
    %select_n3A = arith.select %eq3A_34, %iota3A, %broadcast_in_dim3A_35 : vector<4x64xi1>, vector<4x64xi32>
    %reduce_min3A = arith.constant dense<2147483647> : vector<4xi32>
    %reduce_min3A_36 = vector.multi_reduction <minsi>, %select_n3A, %reduce_min3A [1] : vector<4x64xi32> to vector<4xi32>
    %broadcast_in_dim3A_37 = vector.shape_cast %reduce_min3A_36 : vector<4xi32> to vector<4x1xi32>
    %eq3A_38 = vector.broadcast %broadcast_in_dim3A_37 : vector<4x1xi32> to vector<4x64xi32>
    %eq3A_39 = arith.cmpi eq, %iota3A, %eq3A_38 : vector<4x64xi32>
    %jit3A_40 = arith.constant 0xFF800000 : f32
    %broadcast_in_dim3A_41 = vector.broadcast %jit3A_40 : f32 to vector<4x64xf32>
    %select_n3A_42 = arith.select %eq3A_39, %broadcast_in_dim3A_41, %add3A_32 : vector<4x64xi1>, vector<4x64xf32>
    %reduce_max3A_43 = arith.constant dense<0xFF800000> : vector<4xf32>
    %reduce_max3A_44 = vector.multi_reduction <maximumf>, %select_n3A_42, %reduce_max3A_43 [1] : vector<4x64xf32> to vector<4xf32>
    %broadcast_in_dim3A_45 = vector.shape_cast %reduce_max3A_44 : vector<4xf32> to vector<4x1xf32>
    %eq3A_46 = vector.broadcast %broadcast_in_dim3A_45 : vector<4x1xf32> to vector<4x64xf32>
    %eq3A_47 = arith.cmpf oeq, %select_n3A_42, %eq3A_46 : vector<4x64xf32>
    %jit3A_48 = arith.constant 64 : i32
    %broadcast_in_dim3A_49 = vector.broadcast %jit3A_48 : i32 to vector<4x64xi32>
    %select_n3A_50 = arith.select %eq3A_47, %iota3A, %broadcast_in_dim3A_49 : vector<4x64xi1>, vector<4x64xi32>
    %reduce_min3A_51 = arith.constant dense<2147483647> : vector<4xi32>
    %reduce_min3A_52 = vector.multi_reduction <minsi>, %select_n3A_50, %reduce_min3A_51 [1] : vector<4x64xi32> to vector<4xi32>
    %broadcast_in_dim3A_53 = vector.shape_cast %reduce_min3A_52 : vector<4xi32> to vector<4x1xi32>
    %sub3A = arith.subf %broadcast_in_dim3A_45, %broadcast_in_dim3A : vector<4x1xf32>
    %exp3A = math.exp %sub3A : vector<4x1xf32>
    %add3A_54 = arith.constant 1.000000e+00 : f32
    %add3A_55 = vector.broadcast %add3A_54 : f32 to vector<4x1xf32>
    %add3A_56 = arith.addf %add3A_55, %exp3A : vector<4x1xf32>
    %div3A = arith.constant 1.000000e+00 : f32
    %div3A_57 = vector.broadcast %div3A : f32 to vector<4x1xf32>
    %div3A_58 = arith.divf %div3A_57, %add3A_56 : vector<4x1xf32>
    %div3A_59 = arith.divf %exp3A, %add3A_56 : vector<4x1xf32>
    %concatenate3A = tpu.concatenate %div3A_58, %div3A_59 in 1 : vector<4x1xf32>, vector<4x1xf32> -> vector<4x2xf32>
    %concatenate3A_60 = tpu.concatenate %broadcast_in_dim3A_37, %broadcast_in_dim3A_53 in 1 : vector<4x1xi32>, vector<4x1xi32> -> vector<4x2xi32>
    %swap3A = arith.constant 0 : index
    %swap3A_61 = arith.constant 0 : index
    %swap3A_62 = vector.load %arg6[%swap3A, %swap3A_61] : memref<4x2xf32, #tpu.memory_space<vmem>>, vector<4x2xf32>
    tpu.vector_store %arg6[%swap3A, %swap3A_61], %concatenate3A {strides = array<i32>} : memref<4x2xf32, #tpu.memory_space<vmem>>, vector<4x2xf32>,
    %swap3A_63 = arith.constant 0 : index
    %swap3A_64 = arith.constant 0 : index
    %swap3A_65 = vector.load %arg7[%swap3A_63, %swap3A_64] : memref<4x2xi32, #tpu.memory_space<vmem>>, vector<4x2xi32>
    tpu.vector_store %arg7[%swap3A_63, %swap3A_64], %concatenate3A_60 {strides = array<i32>} : memref<4x2xi32, #tpu.memory_space<vmem>>, vector<4x2xi32>,
    return
  }
}

</mosaic_0001>

<sc_bundles>
// kernel: kernel.5.cloned.1.call-start
scs
__scs_entry_jumppad:
0x0: {  	(pc) =	sbr.rel $0x88, $3  }
0x1: {  	(tag) =	ssettag $0x0;
	lr =	simm.s32 $0x1  }
0x2: {  	[smem:$0x3F9C] =	sst lr;
	_ =	strace $0xD0000000  }
0x3: {  	_ = 	snop  }
0x4: {  	_ = 	snop  }
0x5: {  	_ = 	snop  }
0x6: {  	_ = 	snop  }
0x7: {  	_ = 	snop  }
__scs_overlays_trampoline_lowered:
0x8: {  	[smem:$0x3FAB] =	sst s0  }
0x9: {  	[smem:$0x3FAC] =	sst s1  }
0xa: {  	[smem:$0x3FAD] =	sst s2  }
0xb: {  	[smem:$0x3FAE] =	sst s3  }
0xc: {  	[smem:$0x3FAF] =	sst s4  }
0xd: {  	[smem:$0x3FB0] =	sst s5  }
0xe: {  	[smem:$0x3FB1] =	sst s6  }
0xf: {  	[smem:$0x3FB2] =	sst s7  }
0x10: {  	[smem:$0x3FB3] =	sst s8  }
0x11: {  	[smem:$0x3FB4] =	sst s9;
	s0 =	simm.s32 @!p0 $0x0  }
0x12: {  	s1 =	sld [smem:$0x3F9A];
	s0 =	simm.s32 @p0 $0x1  }
0x13: {  	[smem:$0x3FB5] =	sst s0;
	s0 =	simm.s32 @!p1 $0x0  }
0x14: {  	s2 =	sld [smem:$0x3F99];
	s0 =	simm.s32 @p1 $0x1  }
0x15: {  	[smem:$0x3FB6] =	sst s0;
	s0 =	simm.s32 @!p2 $0x0  }
0x16: {  	s3 =	sld [smem:$0x3FDB];
	s0 =	simm.s32 @p2 $0x1  }
0x17: {  	s4 =	simm.s32 $0x1BF5;
	[smem:$0x3FB8] =	sst s0  }
0x18: {  	s0 =	sld [smem:$0x3F9B];
	_ =	swait.ge [sflag:s4], $0x0  }
0x19: {  	s7 =	sld [smem:$0x3F9C]  }
0x1a: {  	s8 =	sadd.s32 $0xFFFFE003, lr  }
0x1b: {  	s9 =	sadd.s32 $0xFFFFFEF7, lr;
	s5 =	simm.s32 $0xFFFFFFFF;
	p2 =	slt.u32 s8, $0xFFFFF086  }
0x1c: {  	p1 =	slt.u32 s9, $0xF7A;
	s5 =	simm.s32 @!p2 $0x0  }
0x1d: {  	s5 =	simm.s32 @p1 $0x1;
	p0 =	seq.s32 s7, s2  }
0x1e: {  	s7 =	smul.u32 @!p0 $0xF7A, s2;
	p2 =	seq.s32 @!p0 s5, $0x0  }
0x1f: {  	s9 =	smul.u32 $0xF7A, s1;
	s8 =	simm.s32 @!p0 $0x1BF5;
	p2 =	por !p2, p0  }
0x20: {  	[sflag:s8] =	ssyncset.s32 @!p0 $0xFFFFF086;
	s6 =	sadd.s32 @!p0 s3, s7;
	s7 =	simm.s32 @!p0 $0x108  }
0x21: {  	s3 =	sadd.s32 s3, s9;
	s6 =	sadd.s32 @!p0 $0x88, s6;
	s7 =	simm.s32 @p2 $0x1082  }
0x22: {  	[simem:s7], [sflag:s8] =	dma.local @!p0 [hbm:s6], $0xF7A  }
0x23: {  	s9 =	sor.u32 $0xD0000000, s2;
	s6 =	simm.s32 $0x108;
	_ =	swait.ge @!p0 [sflag:s8], $0x0  }
0x24: {  	s3 =	sadd.s32 $0x88, s3;
	s6 =	simm.s32 @!p1 $0x1082;
	[sflag:s4] =	ssyncset.s32 $0xFFFFF086  }
0x25: {  	[simem:s6], [sflag:s4] =	dma.local [hbm:s3], $0xF7A  }
0x26: {  	[smem:$0x3F9C] =	sst s1;
	(tag) =	ssettag s2;
	_ =	strace s9  }
0x27: {  	s1 =	sld [smem:$0x3FAC]  }
0x28: {  	s2 =	sld [smem:$0x3FAD]  }
0x29: {  	s4 =	sld [smem:$0x3FAF]  }
0x2a: {  	p0 =	seq.s32 s5, $0x0;
	s5 =	sld [smem:$0x3FB0]  }
0x2b: {  	s6 =	sld [smem:$0x3FB1]  }
0x2c: {  	s7 =	sld [smem:$0x3FB2]  }
0x2d: {  	s3 =	simm.s32 $0x108;
	s8 =	sld [smem:$0x3FB3]  }
0x2e: {  	s3 =	simm.s32 @!p0 $0x1082;
	s9 =	sld [smem:$0x3FB4]  }
0x2f: {  	lr =	sadd.s32 s0, s3;
	s0 =	sld [smem:$0x3FAB]  }
0x30: {  	s3 =	sld [smem:$0x3FAE]  }
0x31: {  	[smem:$0x3FB7] =	sst s10  }
0x32: {  	s10 =	sld [smem:$0x3FB5];
	_ =	sdelay $0x3  }
0x33: {  	p0 =	seq.s32 s10, $0x1;
	s10 =	sld [smem:$0x3FB7];
	_ =	sdelay $0x3  }
0x34: {  	[smem:$0x3FB7] =	sst s10  }
0x35: {  	s10 =	sld [smem:$0x3FB6];
	_ =	sdelay $0x3  }
0x36: {  	p1 =	seq.s32 s10, $0x1;
	s10 =	sld [smem:$0x3FB7];
	_ =	sdelay $0x3  }
0x37: {  	[smem:$0x3FB7] =	sst s10  }
0x38: {  	s10 =	sld [smem:$0x3FB8]  }
0x39: {  	_ = 	snop;
	(pc) =	sbr.ind lr, $3  }
0x3a: {  	_ = 	snop  }
0x3b: {  	_ = 	snop  }
0x3c: {  	p2 =	seq.s32 s10, $0x1;
	s10 =	sld [smem:$0x3FB7]  }
0x3d: {  	_ =	shalt  }
0x3e: {  	_ =	shalt  }
0x3f: {  	_ =	shalt  }
0x40: {  	_ =	shalt  }
0x41: {  	_ =	shalt  }
0x42: {  	_ =	shalt  }
0x43: {  	_ =	shalt  }
0x44: {  	_ =	shalt  }
0x45: {  	_ =	shalt  }
0x46: {  	_ =	shalt  }
0x47: {  	_ =	shalt  }
0x48: {  	_ =	shalt  }
0x49: {  	_ =	shalt  }
0x4a: {  	_ =	shalt  }
0x4b: {  	_ =	shalt  }
0x4c: {  	_ =	shalt  }
0x4d: {  	_ =	shalt  }
0x4e: {  	_ =	shalt  }
0x4f: {  	_ =	shalt  }
0x50: {  	_ =	shalt  }
0x51: {  	_ =	shalt  }
0x52: {  	_ =	shalt  }
0x53: {  	_ =	shalt  }
0x54: {  	_ =	shalt  }
0x55: {  	_ =	shalt  }
0x56: {  	_ =	shalt  }
0x57: {  	_ =	shalt  }
0x58: {  	_ =	shalt  }
0x59: {  	_ =	shalt  }
0x5a: {  	_ =	shalt  }
0x5b: {  	_ =	shalt  }
0x5c: {  	_ =	shalt  }
0x5d: {  	_ =	shalt  }
0x5e: {  	_ =	shalt  }
0x5f: {  	_ =	shalt  }
0x60: {  	_ =	shalt  }
0x61: {  	_ =	shalt  }
0x62: {  	_ =	shalt  }
0x63: {  	_ =	shalt  }
0x64: {  	_ =	shalt  }
0x65: {  	_ =	shalt  }
0x66: {  	_ =	shalt  }
0x67: {  	_ =	shalt  }
0x68: {  	_ =	shalt  }
0x69: {  	_ =	shalt  }
0x6a: {  	_ =	shalt  }
0x6b: {  	_ =	shalt  }
0x6c: {  	_ =	shalt  }
0x6d: {  	_ =	shalt  }
0x6e: {  	_ =	shalt  }
0x6f: {  	_ =	shalt  }
0x70: {  	_ =	shalt  }
0x71: {  	_ =	shalt  }
0x72: {  	_ =	shalt  }
0x73: {  	_ =	shalt  }
0x74: {  	_ =	shalt  }
0x75: {  	_ =	shalt  }
0x76: {  	_ =	shalt  }
0x77: {  	_ =	shalt  }
0x78: {  	_ =	shalt  }
0x79: {  	_ =	shalt  }
0x7a: {  	_ =	shalt  }
0x7b: {  	_ =	shalt  }
0x7c: {  	_ =	shalt  }
0x7d: {  	_ =	shalt  }
0x7e: {  	_ =	shalt  }
0x7f: {  	_ =	shalt  }
0x80: {  	_ =	shalt  }
0x81: {  	_ =	shalt  }
0x82: {  	_ =	shalt  }
0x83: {  	_ =	shalt  }
0x84: {  	_ =	shalt  }
0x85: {  	_ =	shalt  }
0x86: {  	_ =	shalt  }
0x87: {  	_ =	shalt  }
.Lfunc_end0:
.L_simem_size_0:
called_computation_lowered:
.L_overlay_start_0:
0x88: {  	s2 =	sld [smem:$0x3FD9]  }
0x89: {  	s3 =	sld [smem:$0x3FFE];
	_ =	sdelay $0x1  }
0x8a: {  	s1 =	srdreg.scid  }
0x8b: {  	s0 =	sand.u32 $0x1, s1  }
0x8c: {  	s16 =	sshll.u32 s0, $0xA;
	s2 =	sadd.s32 s3, s2  }
0x8d: {  	s2 =	sadd.s32 s2, s16  }
0x8e: {  	[smem:$0x3FC3] =	sst s2  }
0x8f: {  	_ = 	snop  }
0x90: {  	(tm) =	ssettm $0x1  }
0x91: {  	s17 =	sld [smem:$0x3FFB];
	_ =	sdelay $0x3  }
0x92: {  	_ =	strace s17  }
0x93: {  	s2 =	sld [smem:$0x3FFC];
	_ =	sdelay $0x3  }
0x94: {  	_ =	strace s2  }
0x95: {  	s2 =	sld [smem:$0x3FFD];
	_ =	sdelay $0x3  }
0x96: {  	_ =	strace s2  }
0x97: {  	_ =	strace $0x8FFFFFFF  }
0x98: {  	s18 =	sld [smem:$0x3FDB];
	_ =	sdelay $0x1  }
0x99: {  	s19 =	simm.s32 $_scs_section_size  }
0x9a: {  	s4 =	simm.s32 $_size__tile_overlayer_lowered;
	s5 =	simm.s32 $_tile_overlayer_lowered  }
0x9b: {  	s22 =	simm.s32 $0x1BFF;
	s21 =	sshll.u32 s5, $0x1;
	s2 =	sadd.s32 s19, s18  }
0x9c: {  	s6 =	simm.s32 $0x0;
	s20 =	sshll.u32 s4, $0x1;
	s4 =	sadd.s32 s21, s2  }
0x9d: {  	[timem:s6], [sflag:s22] =	dma.local [hbm:s4], s20  }
0x9e: {  	_ =	swait.ge [sflag:s22], s20  }
0x9f: {  	s3 =	ssub.s32 $0x0, s20;
	[sflag:s22] =	ssyncset.done $0x0  }
0xa0: {  	[sflag:s22] =	ssyncadd.s32 s3;
	_ =	sdelay $0x1  }
0xa1: {  	s23 =	simm.s32 $0x1B8B  }
0xa2: {  	_ =	swait.ge [sflag:s23], $0x1  }
0xa3: {  	[sflag:s23] =	ssyncset.done $0x0  }
0xa4: {  	s25 =	simm.s32 $0x1B8E;
	s24 =	sld [smem:$0x3FFE];
	[sflag:s23] =	ssyncadd.s32 $0xFFFFFFFF  }
0xa5: {  	s26 =	simm.s32 $execute0_lowered;
	[smem:$0x3FD2] =	sst s25  }
0xa6: {  	s4 =	sshll.u32 s26, $0x1;
	_ =	strace $0x80000046;
	[dreg:$0x1] =	wrdreg $0xFFFFFFFF  }
0xa7: {  	s28 =	simm.s32 $_size_execute0_lowered;
	s2 =	sadd.s32 s2, s4;
	[dreg:$0x0] =	wrdreg $0x0  }
0xa8: {  	s4 =	sshll.u32 s28, $0x1;
	[dreg:$0x2] =	wrdreg s2  }
0xa9: {  	[dreg:$0x3] =	wrdreg s4  }
0xaa: {  	[dreg:$0x4] =	wrdreg $0xC0  }
0xab: {  	_ =	task [dreg:s6], $0x5FFFF  }
0xac: {  	[dreg:$0x1] =	wrdreg $0xFFFFFFFF  }
0xad: {  	[dreg:$0x0] =	wrdreg $0x60  }
0xae: {  	[dreg:$0x2] =	wrdreg s24  }
0xaf: {  	[dreg:$0x3] =	wrdreg $0x9  }
0xb0: {  	_ =	task.clear_ibuf [dreg:s6], $0x4FFFF;
	_ =	strace $0x90000046  }
0xb1: {  	s29 =	simm.s32 $0x9;
	_ =	strace $0x80000048  }
0xb2: {  	_ =	swait.ge [sflag:s29], $0x1  }
0xb3: {  	[sflag:s29] =	ssyncadd.s32 $0xFFFFFFFF  }
0xb4: {  	_ =	strace $0x90000048  }
0xb5: {  	_ =	sfence  }
0xb6: {  	s30 =	sld [smem:$0x0];
	_ =	sdelay $0x2  }
0xb7: {  	s31 =	sshll.u32 s1, $0xD;
	s1 =	sshrl.u32 s1, $0x2  }
0xb8: {  	s3 =	sand.u32 $0x4000, s31;
	s1 =	sadd.s32 s1, s30  }
0xb9: {  	s0 =	sor.u32 s3, s0;
	s1 =	sshll.u32 s1, $0x11  }
0xba: {  	s0 =	sor.u32 s1, s0  }
0xbb: {  	s0 =	sadd.s32 $0x8F2B, s0  }
0xbc: {  	[sflag:s0] =	ssyncadd.remote.s32 $0x1  }
0xbd: {  	_ =	sfence.sel $0xFFFF  }
0xbe: {  	[dreg:$0x0] =	wrdreg $0xFFFFFFFF;
	(pc) =	sbr.abs _section_cstart, $3  }
0xbf: {  	[dreg:$0x1] =	wrdreg $0xFFFFFFFF  }
0xc0: {  	_ =	task.clear_ibuf [dreg:s6], $0x2FFFF;
	_ =	strace $0x9FFFFFFF  }
0xc1: {  	(tm) =	ssettm $0x7FFFFFFF  }
tec
execute0_lowered:
.L_overlay_start_1:
0x0: {  	(tag) =	ssettag $0x1  }
0x1: {  	s1 =	srdreg.scid;
	s0 =	stileid.u32  }
0x2: {  	s5 =	rddreg [dreg:$0x0];
	s13 =	simm.s32 $0x1;
	s14 =	simm.s32 $0x2  }
0x3: {  	s15 =	simm.s32 $0x3;
	s16 =	simm.s32 $0x4;
	s17 =	simm.s32 $0x80  }
0x4: {  	s18 =	simm.s32 $0x400;
	s19 =	simm.s32 $0x12000;
	s20 =	simm.s32 $0x5  }
0x5: {  	s21 =	simm.s32 $0x0;
	s4 =	sand.u32 $0x1, s1;
	s25 =	sshll.u32 s0, $0x1  }
0x6: {  	s1 =	rddreg [dreg:$0x1];
	s8 =	sshrl.u32 s0, $0x2;
	s3 =	sor.u32 s4, s25  }
0x7: {  	s6 =	sshll.u32 s0, $0xB;
	s8 =	smul.u32 $0x1800, s8;
	s2 =	sand.u32 $0x7, s3  }
0x8: {  	s6 =	sor.u32 $0x1A00, s6;
	s29 =	ssub.s32 $0x2, s4;
	s7 =	smul.u32 $0xC0, s2  }
0x9: {  	s3 =	sshll.u32 s3, $0x7;
	s31 =	sshrl.u32 s29, $0x1;
	s2 =	simm.s32 $0x0  }
0xa: {  	s26 =	sand.u32 $0x380, s3;
	s3 =	sadd.s32 $0x1000, s5;
	s6 =	sadd.s32 s6, s7  }
0xb: {  	s12 =	ssub.s32 s29, s31;
	[smem:$0x7FF] =	sst s2;
	s9 =	smul.u32 $0x300, s6  }
.Ltmp0:
0xc: {  	s28 =	sor.u32 s8, s26;
	s12 =	smax.u32 s12, $0x1;
	(pc) =	sbr.rel .LBB2_1-.Ltmp0, $4  }
0xd: {  	_ =	strace $0x80000047;
	s6 =	sshrl.u32 s28, $0x3;
	s30 =	sshrl.u32 s9, $0x3  }
0xe: {  	s11 =	sadd.s32 s6, s5;
	s7 =	sadd.s32 $0xD800, s9;
	s4 =	sadd.s32 s3, s30  }
0xf: {  	s11 =	sadd.s32 $0x301000, s11;
	s5 =	sadd.s32 $0x900, s4;
	s6 =	sadd.s32 $0x1200, s4  }
0x10: {  	v0 =	vimm.f32 $0.0e+00;
	s8 =	sadd.s32 $0x2400, s4;
	s9 =	sadd.s32 $0x2D00, s4;
	s10 =	sadd.s32 $0x3600, s4  }
.LBB2_30:
0x11: {  	s21 =	sadd.s32 $0x1, s21  }
0x12: {  	p0 =	sne.s32 s21, s12  }
.Ltmp1:
0x13: {  	_ = 	snop;
	(pc) =	sbr.rel @!p0 .LBB2_31-.Ltmp1, $4  }
0x14: {  	[hbm4b:s11+s17] =	stream.strided.scatter [tilespmem:s19], [sflag:$0x5], $0x300, s18, s17, $0x38;
	[tilespmem:$0x12300] =	vst v63  }
0x15: {  	_ =	swait.ge [sflag:s20], $0x300  }
0x16: {  	[sflag:s20] =	ssyncset.done $0x0  }
0x17: {  	[sflag:s20] =	ssyncadd.s32 $0xFFFFFD00  }
.LBB2_1:
0x18: {  	[tilespmem:$0x12000] =	vst v0  }
0x19: {  	[tilespmem:$0x12010] =	vst v0  }
0x1a: {  	[tilespmem:$0x12020] =	vst v0  }
0x1b: {  	[tilespmem:$0x12030] =	vst v0  }
0x1c: {  	[tilespmem:$0x12040] =	vst v0  }
0x1d: {  	[tilespmem:$0x12050] =	vst v0  }
0x1e: {  	[tilespmem:$0x12060] =	vst v0  }
0x1f: {  	[tilespmem:$0x12070] =	vst v0  }
0x20: {  	[tilespmem:$0x12080] =	vst v0  }
0x21: {  	[tilespmem:$0x12090] =	vst v0  }
0x22: {  	[tilespmem:$0x120A0] =	vst v0  }
0x23: {  	[tilespmem:$0x120B0] =	vst v0  }
0x24: {  	[tilespmem:$0x120C0] =	vst v0  }
0x25: {  	[tilespmem:$0x120D0] =	vst v0  }
0x26: {  	[tilespmem:$0x120E0] =	vst v0  }
0x27: {  	[tilespmem:$0x120F0] =	vst v0  }
0x28: {  	[tilespmem:$0x12100] =	vst v0  }
0x29: {  	[tilespmem:$0x12110] =	vst v0  }
0x2a: {  	[tilespmem:$0x12120] =	vst v0  }
0x2b: {  	[tilespmem:$0x12130] =	vst v0  }
0x2c: {  	[tilespmem:$0x12140] =	vst v0  }
0x2d: {  	[tilespmem:$0x12150] =	vst v0  }
0x2e: {  	[tilespmem:$0x12160] =	vst v0  }
0x2f: {  	[tilespmem:$0x12170] =	vst v0  }
0x30: {  	[tilespmem:$0x12180] =	vst v0  }
0x31: {  	[tilespmem:$0x12190] =	vst v0  }
0x32: {  	[tilespmem:$0x121A0] =	vst v0  }
0x33: {  	[tilespmem:$0x121B0] =	vst v0  }
0x34: {  	[tilespmem:$0x121C0] =	vst v0  }
0x35: {  	[tilespmem:$0x121D0] =	vst v0  }
0x36: {  	[tilespmem:$0x121E0] =	vst v0  }
0x37: {  	[tilespmem:$0x121F0] =	vst v0  }
0x38: {  	[tilespmem:$0x12200] =	vst v0  }
0x39: {  	[tilespmem:$0x12210] =	vst v0  }
0x3a: {  	[tilespmem:$0x12220] =	vst v0  }
0x3b: {  	[tilespmem:$0x12230] =	vst v0  }
0x3c: {  	[tilespmem:$0x12240] =	vst v0  }
0x3d: {  	[tilespmem:$0x12250] =	vst v0  }
0x3e: {  	[tilespmem:$0x12260] =	vst v0  }
0x3f: {  	[tilespmem:$0x12270] =	vst v0  }
0x40: {  	[tilespmem:$0x12280] =	vst v0  }
0x41: {  	[tilespmem:$0x12290] =	vst v0  }
0x42: {  	[tilespmem:$0x122A0] =	vst v0  }
0x43: {  	[tilespmem:$0x122B0] =	vst v0  }
0x44: {  	[tilespmem:$0x122C0] =	vst v0  }
0x45: {  	[tilespmem:$0x122D0] =	vst v0  }
0x46: {  	[tilespmem:$0x122E0] =	vst v0;
	s22 =	simm.s32 $0x10  }
0x47: {  	[tilespmem:$0x122F0] =	vst v0;
	s25 =	sadd.s32 $0x0, s4;
	s23 =	simm.s32 $0x200;
	s24 =	simm.s32 $0x0  }
.LBB2_2:
0x48: {  	[tilespmem:s24], [sflag:$0x1] =	stream.linear.gather [hbm4b:s25+s2], $0x80, $0x38;
	[tilespmem:$0x12300] =	vst v63  }
0x49: {  	s25 =	smov.u32 s22;
	s24 =	smov.u32 s23;
	p0 =	sne.s32 s22, $0x8F0  }
.Ltmp2:
0x4a: {  	s22 =	sadd.s32 $0x10, s22;
	(pc) =	sbr.rel @p0 .LBB2_2-.Ltmp2, $2  }
0x4b: {  	_ =	sdelay $0x2  }
0x4c: {  	s23 =	sadd.s32 $0x200, s23;
	s25 =	sadd.s32 s25, s4  }
0x4d: {  	[tilespmem:s24], [sflag:$0x1] =	stream.linear.gather [hbm4b:s25+s2], $0x80, $0x38;
	[tilespmem:$0x12300] =	vst v63  }
0x4e: {  	s22 =	simm.s32 $0x80  }
0x4f: {  	s23 =	simm.s32 $0x10;
	s25 =	sadd.s32 $0x0, s5;
	s24 =	simm.s32 $0x280  }
.LBB2_4:
0x50: {  	[tilespmem:s22], [sflag:$0x2] =	stream.linear.gather [hbm4b:s25+s2], $0x80, $0x38;
	[tilespmem:$0x12300] =	vst v63  }
0x51: {  	s25 =	smov.u32 s23;
	s22 =	smov.u32 s24;
	p0 =	sne.s32 s23, $0x8F0  }
.Ltmp3:
0x52: {  	s23 =	sadd.s32 $0x10, s23;
	(pc) =	sbr.rel @p0 .LBB2_4-.Ltmp3, $2  }
0x53: {  	_ =	sdelay $0x2  }
0x54: {  	s24 =	sadd.s32 $0x200, s24;
	s25 =	sadd.s32 s25, s5  }
0x55: {  	[tilespmem:s22], [sflag:$0x2] =	stream.linear.gather [hbm4b:s25+s2], $0x80, $0x38;
	[tilespmem:$0x12300] =	vst v63  }
0x56: {  	s22 =	simm.s32 $0x0;
	s23 =	simm.s32 $0x100;
	s24 =	simm.s32 $0x0  }
.LBB2_6:
0x57: {  	p0 =	sne.s32 s24, $0x8F0  }
.Ltmp4:
0x58: {  	_ = 	snop;
	(pc) =	sbr.rel @p0 .LBB2_6-.Ltmp4, $4  }
0x59: {  	_ = 	snop  }
0x5a: {  	s25 =	sadd.s32 s24, s6  }
0x5b: {  	[tilespmem:s23], [sflag:$0x3] =	stream.linear.gather [hbm4b:s25+s22], $0x80, $0x38;
	[tilespmem:$0x12300] =	vst v63  }
0x5c: {  	s24 =	sadd.s32 $0x10, s24;
	s23 =	sadd.s32 $0x200, s23  }
0x5d: {  	p0 =	por $0x1, $0x1  }
.LBB2_8:
0x5e: {  	_ =	swait.ge [sflag:s13], $0x4800;
	s24 =	simm.s32 $0x0  }
0x5f: {  	[sflag:s13] =	ssyncset.done $0x0;
	s23 =	sand.u32 $0x70, s24;
	s25 =	sand.u32 $0xE00, s24  }
0x60: {  	[sflag:s13] =	ssyncadd.s32 $0xFFFFB800;
	s25 =	sor.u32 s23, s25  }
0x61: {  	v1 =	vld [tilespmem:s25+$0xF000]  }
0x62: {  	v2 =	vld [tilespmem:s25+$0xFC00]  }
0x63: {  	v3 =	vld [tilespmem:s25+$0xC000]  }
0x64: {  	v4 =	vld [tilespmem:s25+$0xCC00]  }
0x65: {  	v5 =	vld [tilespmem:s25+$0x9000]  }
0x66: {  	v6 =	vld [tilespmem:s25+$0x9C00]  }
0x67: {  	v7 =	vld [tilespmem:s25+$0x6000]  }
0x68: {  	v8 =	vld [tilespmem:s25+$0x6C00]  }
0x69: {  	v9 =	vld [tilespmem:s25+$0x3000]  }
0x6a: {  	v10 =	vld [tilespmem:s25+$0x3C00]  }
0x6b: {  	s23 =	simm.s32 $0x0;
	v11 =	vld [tilespmem:s25+$0x0]  }
0x6c: {  	v12 =	vld [tilespmem:s23+$0x12000]  }
0x6d: {  	s26 =	simm.s32 $0x10;
	v13 =	vld [tilespmem:s25+$0xC00]  }
.LBB2_9:
0x6e: {  	p1 =	sne.s32 s26, $0x2F0;
	v14 =	vld [tilespmem:s25+$0x1800]  }
0x6f: {  	v15 =	vld [tilespmem:s25+$0x2400]  }
0x70: {  	v16 =	vld [tilespmem:s25+$0x4800]  }
0x71: {  	v17 =	vld [tilespmem:s25+$0x5400]  }
0x72: {  	v18 =	vld [tilespmem:s25+$0x7800]  }
0x73: {  	v11 =	vadd.f32 v11, v12;
	v12 =	vadd.f32 $0.0e+00, v13;
	v13 =	vld [tilespmem:s25+$0x8400]  }
0x74: {  	v14 =	vadd.f32 $0.0e+00, v14;
	v15 =	vadd.f32 $0.0e+00, v15;
	v19 =	vld [tilespmem:s25+$0xA800]  }
0x75: {  	v9 =	vadd.f32 v9, v11;
	v10 =	vadd.f32 v10, v12;
	v11 =	vld [tilespmem:s25+$0xB400]  }
0x76: {  	v12 =	vadd.f32 v16, v14;
	v14 =	vadd.f32 v17, v15;
	v15 =	vld [tilespmem:s25+$0xD800]  }
0x77: {  	v7 =	vadd.f32 v7, v9;
	v8 =	vadd.f32 v8, v10;
	v9 =	vld [tilespmem:s25+$0xE400]  }
0x78: {  	v10 =	vadd.f32 v18, v12;
	v12 =	vadd.f32 v13, v14;
	v13 =	vld [tilespmem:s25+$0x10800]  }
0x79: {  	v5 =	vadd.f32 v5, v7;
	v6 =	vadd.f32 v6, v8;
	v7 =	vld [tilespmem:s25+$0x11400]  }
0x7a: {  	v8 =	vadd.f32 v19, v10;
	v10 =	vadd.f32 v11, v12  }
0x7b: {  	v3 =	vadd.f32 v3, v5;
	v4 =	vadd.f32 v4, v6  }
0x7c: {  	v5 =	vadd.f32 v15, v8;
	v6 =	vadd.f32 v9, v10  }
0x7d: {  	v1 =	vadd.f32 v1, v3;
	v2 =	vadd.f32 v2, v4  }
0x7e: {  	v3 =	vadd.f32 v13, v5;
	v4 =	vadd.f32 v7, v6;
	_ =	sdelay $0x1  }
0x7f: {  	v1 =	vadd.f32 v2, v1;
	v2 =	vadd.f32 v4, v3;
	_ =	sdelay $0x1  }
0x80: {  	s24 =	sadd.s32 $0x40, s24;
	v1 =	vadd.f32 v2, v1  }
0x81: {  	s28 =	sand.u32 $0xE00, s24;
	s25 =	sand.u32 $0x70, s26  }
0x82: {  	s25 =	sor.u32 s25, s28;
	[tilespmem:s23+$0x12000] =	vst v1  }
0x83: {  	v1 =	vld [tilespmem:s25+$0xF000]  }
0x84: {  	v2 =	vld [tilespmem:s25+$0xFC00]  }
0x85: {  	v3 =	vld [tilespmem:s25+$0xC000]  }
0x86: {  	v4 =	vld [tilespmem:s25+$0xCC00]  }
0x87: {  	v5 =	vld [tilespmem:s25+$0x9000]  }
0x88: {  	v6 =	vld [tilespmem:s25+$0x9C00]  }
0x89: {  	v7 =	vld [tilespmem:s25+$0x6000]  }
0x8a: {  	v8 =	vld [tilespmem:s25+$0x6C00]  }
.Ltmp5:
0x8b: {  	v9 =	vld [tilespmem:s25+$0x3000];
	(pc) =	sbr.rel @p1 .LBB2_9-.Ltmp5, $4  }
0x8c: {  	v10 =	vld [tilespmem:s25+$0x3C00]  }
0x8d: {  	s23 =	sshra.s32 s24, $0x2;
	v11 =	vld [tilespmem:s25+$0x0]  }
0x8e: {  	v12 =	vld [tilespmem:s23+$0x12000]  }
0x8f: {  	s26 =	sadd.s32 $0x10, s26;
	v13 =	vld [tilespmem:s25+$0xC00]  }
0x90: {  	v14 =	vld [tilespmem:s25+$0x1800]  }
0x91: {  	v15 =	vld [tilespmem:s25+$0x2400]  }
0x92: {  	v16 =	vld [tilespmem:s25+$0x4800]  }
0x93: {  	v17 =	vld [tilespmem:s25+$0x5400]  }
0x94: {  	v18 =	vld [tilespmem:s25+$0x7800]  }
0x95: {  	v49 =	vld [tilespmem:s25+$0x8400];
	v11 =	vadd.f32 v11, v12;
	v48 =	vadd.f32 $0.0e+00, v13  }
0x96: {  	v19 =	vld [tilespmem:s25+$0xA800];
	v14 =	vadd.f32 $0.0e+00, v14;
	v15 =	vadd.f32 $0.0e+00, v15  }
0x97: {  	v50 =	vld [tilespmem:s25+$0xB400];
	v9 =	vadd.f32 v9, v11;
	v10 =	vadd.f32 v10, v48  }
0x98: {  	v53 =	vld [tilespmem:s25+$0xD800];
	v51 =	vadd.f32 v16, v14;
	v52 =	vadd.f32 v17, v15  }
0x99: {  	v54 =	vld [tilespmem:s25+$0xE400];
	v7 =	vadd.f32 v7, v9;
	v8 =	vadd.f32 v8, v10  }
0x9a: {  	v57 =	vld [tilespmem:s25+$0x10800];
	v55 =	vadd.f32 v18, v51;
	v56 =	vadd.f32 v49, v52  }
0x9b: {  	v58 =	vld [tilespmem:s25+$0x11400];
	v5 =	vadd.f32 v5, v7;
	v6 =	vadd.f32 v6, v8  }
0x9c: {  	v59 =	vadd.f32 v19, v55;
	v60 =	vadd.f32 v50, v56  }
0x9d: {  	v3 =	vadd.f32 v3, v5;
	v4 =	vadd.f32 v4, v6  }
0x9e: {  	v61 =	vadd.f32 v53, v59;
	v62 =	vadd.f32 v54, v60  }
0x9f: {  	v1 =	vadd.f32 v1, v3;
	v2 =	vadd.f32 v2, v4  }
0xa0: {  	v3 =	vadd.f32 v57, v61;
	v63 =	vadd.f32 v58, v62;
	_ =	sdelay $0x1  }
0xa1: {  	v1 =	vadd.f32 v2, v1;
	v2 =	vadd.f32 v63, v3  }
0xa2: {  	s22 =	sadd.s32 s22, s7  }
0xa3: {  	s22 =	sshrl.u32 s22, $0x3;
	v1 =	vadd.f32 v2, v1  }
0xa4: {  	s24 =	simm.s32 $0x180;
	s22 =	sadd.s32 s3, s22  }
0xa5: {  	s25 =	simm.s32 $0x380;
	s26 =	sadd.s32 $0x0, s22;
	[tilespmem:s23+$0x12000] =	vst v1;
	s23 =	simm.s32 $0x10  }
.LBB2_11:
0xa6: {  	[tilespmem:s24], [sflag:$0x4] =	stream.linear.gather [hbm4b:s26+s2], $0x80, $0x38;
	[tilespmem:$0x12300] =	vst v63  }
0xa7: {  	s26 =	smov.u32 s23;
	s24 =	smov.u32 s25;
	p1 =	sne.s32 s23, $0x8F0  }
.Ltmp6:
0xa8: {  	s23 =	sadd.s32 $0x10, s23;
	(pc) =	sbr.rel @p1 .LBB2_11-.Ltmp6, $2  }
0xa9: {  	_ =	sdelay $0x2  }
0xaa: {  	s25 =	sadd.s32 $0x200, s25;
	s26 =	sadd.s32 s26, s22  }
0xab: {  	[tilespmem:s24], [sflag:$0x4] =	stream.linear.gather [hbm4b:s26+s2], $0x80, $0x38;
	[tilespmem:$0x12300] =	vst v63  }
0xac: {  	s23 =	simm.s32 $0x0;
	_ =	swait.ge [sflag:s14], $0x4800  }
0xad: {  	s22 =	sand.u32 $0x70, s23;
	s31 =	sand.u32 $0xE00, s23;
	[sflag:s14] =	ssyncset.done $0x0  }
0xae: {  	s24 =	sor.u32 s22, s31;
	[sflag:s14] =	ssyncadd.s32 $0xFFFFB800  }
0xaf: {  	v1 =	vld [tilespmem:s24+$0xF080]  }
0xb0: {  	v2 =	vld [tilespmem:s24+$0xFC80]  }
0xb1: {  	v3 =	vld [tilespmem:s24+$0xC080]  }
0xb2: {  	v4 =	vld [tilespmem:s24+$0xCC80]  }
0xb3: {  	v5 =	vld [tilespmem:s24+$0x9080]  }
0xb4: {  	v6 =	vld [tilespmem:s24+$0x9C80]  }
0xb5: {  	v7 =	vld [tilespmem:s24+$0x6080]  }
0xb6: {  	v8 =	vld [tilespmem:s24+$0x6C80]  }
0xb7: {  	v9 =	vld [tilespmem:s24+$0x3080]  }
0xb8: {  	v10 =	vld [tilespmem:s24+$0x3C80]  }
0xb9: {  	s22 =	simm.s32 $0x0;
	v11 =	vld [tilespmem:s24+$0x80]  }
0xba: {  	v12 =	vld [tilespmem:s22+$0x12000]  }
0xbb: {  	s25 =	simm.s32 $0x10;
	v13 =	vld [tilespmem:s24+$0xC80]  }
.LBB2_13:
0xbc: {  	p1 =	sne.s32 s25, $0x2F0;
	v14 =	vld [tilespmem:s24+$0x1880]  }
0xbd: {  	v15 =	vld [tilespmem:s24+$0x2480]  }
0xbe: {  	v16 =	vld [tilespmem:s24+$0x4880]  }
0xbf: {  	v17 =	vld [tilespmem:s24+$0x5480]  }
0xc0: {  	v18 =	vld [tilespmem:s24+$0x7880]  }
0xc1: {  	v11 =	vadd.f32 v11, v12;
	v12 =	vadd.f32 $0.0e+00, v13;
	v13 =	vld [tilespmem:s24+$0x8480]  }
0xc2: {  	v14 =	vadd.f32 $0.0e+00, v14;
	v15 =	vadd.f32 $0.0e+00, v15;
	v19 =	vld [tilespmem:s24+$0xA880]  }
0xc3: {  	v9 =	vadd.f32 v9, v11;
	v10 =	vadd.f32 v10, v12;
	v11 =	vld [tilespmem:s24+$0xB480]  }
0xc4: {  	v12 =	vadd.f32 v16, v14;
	v14 =	vadd.f32 v17, v15;
	v15 =	vld [tilespmem:s24+$0xD880]  }
0xc5: {  	v7 =	vadd.f32 v7, v9;
	v8 =	vadd.f32 v8, v10;
	v9 =	vld [tilespmem:s24+$0xE480]  }
0xc6: {  	v10 =	vadd.f32 v18, v12;
	v12 =	vadd.f32 v13, v14;
	v13 =	vld [tilespmem:s24+$0x10880]  }
0xc7: {  	v5 =	vadd.f32 v5, v7;
	v6 =	vadd.f32 v6, v8;
	v7 =	vld [tilespmem:s24+$0x11480]  }
0xc8: {  	v8 =	vadd.f32 v19, v10;
	v10 =	vadd.f32 v11, v12  }
0xc9: {  	v3 =	vadd.f32 v3, v5;
	v4 =	vadd.f32 v4, v6  }
0xca: {  	v5 =	vadd.f32 v15, v8;
	v6 =	vadd.f32 v9, v10  }
0xcb: {  	v1 =	vadd.f32 v1, v3;
	v2 =	vadd.f32 v2, v4  }
0xcc: {  	v3 =	vadd.f32 v13, v5;
	v4 =	vadd.f32 v7, v6;
	_ =	sdelay $0x1  }
0xcd: {  	v1 =	vadd.f32 v2, v1;
	v2 =	vadd.f32 v4, v3;
	_ =	sdelay $0x1  }
0xce: {  	s23 =	sadd.s32 $0x40, s23;
	v1 =	vadd.f32 v2, v1  }
0xcf: {  	s26 =	sand.u32 $0xE00, s23;
	s24 =	sand.u32 $0x70, s25  }
0xd0: {  	s24 =	sor.u32 s24, s26;
	[tilespmem:s22+$0x12000] =	vst v1  }
0xd1: {  	v1 =	vld [tilespmem:s24+$0xF080]  }
0xd2: {  	v2 =	vld [tilespmem:s24+$0xFC80]  }
0xd3: {  	v3 =	vld [tilespmem:s24+$0xC080]  }
0xd4: {  	v4 =	vld [tilespmem:s24+$0xCC80]  }
0xd5: {  	v5 =	vld [tilespmem:s24+$0x9080]  }
0xd6: {  	v6 =	vld [tilespmem:s24+$0x9C80]  }
0xd7: {  	v7 =	vld [tilespmem:s24+$0x6080]  }
0xd8: {  	v8 =	vld [tilespmem:s24+$0x6C80]  }
.Ltmp7:
0xd9: {  	v9 =	vld [tilespmem:s24+$0x3080];
	(pc) =	sbr.rel @p1 .LBB2_13-.Ltmp7, $4  }
0xda: {  	v10 =	vld [tilespmem:s24+$0x3C80]  }
0xdb: {  	s22 =	sshra.s32 s23, $0x2;
	v11 =	vld [tilespmem:s24+$0x80]  }
0xdc: {  	v12 =	vld [tilespmem:s22+$0x12000]  }
0xdd: {  	s25 =	sadd.s32 $0x10, s25;
	v13 =	vld [tilespmem:s24+$0xC80]  }
0xde: {  	v14 =	vld [tilespmem:s24+$0x1880]  }
0xdf: {  	v15 =	vld [tilespmem:s24+$0x2480]  }
0xe0: {  	v16 =	vld [tilespmem:s24+$0x4880]  }
0xe1: {  	v17 =	vld [tilespmem:s24+$0x5480]  }
0xe2: {  	v18 =	vld [tilespmem:s24+$0x7880]  }
0xe3: {  	v49 =	vld [tilespmem:s24+$0x8480];
	v11 =	vadd.f32 v11, v12;
	v48 =	vadd.f32 $0.0e+00, v13  }
0xe4: {  	v19 =	vld [tilespmem:s24+$0xA880];
	v14 =	vadd.f32 $0.0e+00, v14;
	v15 =	vadd.f32 $0.0e+00, v15  }
0xe5: {  	v50 =	vld [tilespmem:s24+$0xB480];
	v9 =	vadd.f32 v9, v11;
	v10 =	vadd.f32 v10, v48  }
0xe6: {  	v53 =	vld [tilespmem:s24+$0xD880];
	v51 =	vadd.f32 v16, v14;
	v52 =	vadd.f32 v17, v15  }
0xe7: {  	v54 =	vld [tilespmem:s24+$0xE480];
	v7 =	vadd.f32 v7, v9;
	v8 =	vadd.f32 v8, v10  }
0xe8: {  	v57 =	vld [tilespmem:s24+$0x10880];
	v55 =	vadd.f32 v18, v51;
	v56 =	vadd.f32 v49, v52  }
0xe9: {  	v58 =	vld [tilespmem:s24+$0x11480];
	v5 =	vadd.f32 v5, v7;
	v6 =	vadd.f32 v6, v8  }
0xea: {  	v59 =	vadd.f32 v19, v55;
	v60 =	vadd.f32 v50, v56  }
0xeb: {  	v3 =	vadd.f32 v3, v5;
	v4 =	vadd.f32 v4, v6  }
0xec: {  	v61 =	vadd.f32 v53, v59;
	v62 =	vadd.f32 v54, v60  }
0xed: {  	v1 =	vadd.f32 v1, v3;
	v2 =	vadd.f32 v2, v4  }
0xee: {  	v3 =	vadd.f32 v57, v61;
	v63 =	vadd.f32 v58, v62;
	_ =	sdelay $0x1  }
.Ltmp8:
0xef: {  	v1 =	vadd.f32 v2, v1;
	v2 =	vadd.f32 v63, v3;
	(pc) =	sbr.rel @!p0 .LBB2_18-.Ltmp8, $3  }
0xf0: {  	_ = 	snop  }
0xf1: {  	v1 =	vadd.f32 v2, v1;
	_ =	sdelay $0x1  }
0xf2: {  	[tilespmem:s22+$0x12000] =	vst v1  }
0xf3: {  	s22 =	simm.s32 $0x0  }
0xf4: {  	s23 =	simm.s32 $0x10;
	s25 =	sadd.s32 $0x0, s8;
	s24 =	simm.s32 $0x200  }
.LBB2_16:
0xf5: {  	[tilespmem:s22], [sflag:$0x1] =	stream.linear.gather [hbm4b:s25+s2], $0x80, $0x38;
	[tilespmem:$0x12300] =	vst v63  }
0xf6: {  	s25 =	smov.u32 s23;
	s22 =	smov.u32 s24;
	p1 =	sne.s32 s23, $0x8F0  }
.Ltmp9:
0xf7: {  	s23 =	sadd.s32 $0x10, s23;
	(pc) =	sbr.rel @p1 .LBB2_16-.Ltmp9, $2  }
0xf8: {  	_ =	sdelay $0x2  }
0xf9: {  	s24 =	sadd.s32 $0x200, s24;
	s25 =	sadd.s32 s25, s8  }
0xfa: {  	[tilespmem:s22], [sflag:$0x1] =	stream.linear.gather [hbm4b:s25+s2], $0x80, $0x38;
	[tilespmem:$0x12300] =	vst v63  }
.LBB2_18:
0xfb: {  	_ =	swait.ge [sflag:s15], $0x4800;
	s23 =	simm.s32 $0x0  }
0xfc: {  	[sflag:s15] =	ssyncset.done $0x0;
	s22 =	sand.u32 $0x70, s23;
	s24 =	sand.u32 $0xE00, s23  }
0xfd: {  	[sflag:s15] =	ssyncadd.s32 $0xFFFFB800;
	s24 =	sor.u32 s22, s24  }
0xfe: {  	v1 =	vld [tilespmem:s24+$0xF100]  }
0xff: {  	v2 =	vld [tilespmem:s24+$0xFD00]  }
0x100: {  	v3 =	vld [tilespmem:s24+$0xC100]  }
0x101: {  	v4 =	vld [tilespmem:s24+$0xCD00]  }
0x102: {  	v5 =	vld [tilespmem:s24+$0x9100]  }
0x103: {  	v6 =	vld [tilespmem:s24+$0x9D00]  }
0x104: {  	v7 =	vld [tilespmem:s24+$0x6100]  }
0x105: {  	v8 =	vld [tilespmem:s24+$0x6D00]  }
0x106: {  	v9 =	vld [tilespmem:s24+$0x3100]  }
0x107: {  	v10 =	vld [tilespmem:s24+$0x3D00]  }
0x108: {  	s22 =	simm.s32 $0x0;
	v11 =	vld [tilespmem:s24+$0x100]  }
0x109: {  	v12 =	vld [tilespmem:s22+$0x12000]  }
0x10a: {  	s25 =	simm.s32 $0x10;
	v13 =	vld [tilespmem:s24+$0xD00]  }
.LBB2_19:
0x10b: {  	p1 =	sne.s32 s25, $0x2F0;
	v14 =	vld [tilespmem:s24+$0x1900]  }
0x10c: {  	v15 =	vld [tilespmem:s24+$0x2500]  }
0x10d: {  	v16 =	vld [tilespmem:s24+$0x4900]  }
0x10e: {  	v17 =	vld [tilespmem:s24+$0x5500]  }
0x10f: {  	v18 =	vld [tilespmem:s24+$0x7900]  }
0x110: {  	v11 =	vadd.f32 v11, v12;
	v12 =	vadd.f32 $0.0e+00, v13;
	v13 =	vld [tilespmem:s24+$0x8500]  }
0x111: {  	v14 =	vadd.f32 $0.0e+00, v14;
	v15 =	vadd.f32 $0.0e+00, v15;
	v19 =	vld [tilespmem:s24+$0xA900]  }
0x112: {  	v9 =	vadd.f32 v9, v11;
	v10 =	vadd.f32 v10, v12;
	v11 =	vld [tilespmem:s24+$0xB500]  }
0x113: {  	v12 =	vadd.f32 v16, v14;
	v14 =	vadd.f32 v17, v15;
	v15 =	vld [tilespmem:s24+$0xD900]  }
0x114: {  	v7 =	vadd.f32 v7, v9;
	v8 =	vadd.f32 v8, v10;
	v9 =	vld [tilespmem:s24+$0xE500]  }
0x115: {  	v10 =	vadd.f32 v18, v12;
	v12 =	vadd.f32 v13, v14;
	v13 =	vld [tilespmem:s24+$0x10900]  }
0x116: {  	v5 =	vadd.f32 v5, v7;
	v6 =	vadd.f32 v6, v8;
	v7 =	vld [tilespmem:s24+$0x11500]  }
0x117: {  	v8 =	vadd.f32 v19, v10;
	v10 =	vadd.f32 v11, v12  }
0x118: {  	v3 =	vadd.f32 v3, v5;
	v4 =	vadd.f32 v4, v6  }
0x119: {  	v5 =	vadd.f32 v15, v8;
	v6 =	vadd.f32 v9, v10  }
0x11a: {  	v1 =	vadd.f32 v1, v3;
	v2 =	vadd.f32 v2, v4  }
0x11b: {  	v3 =	vadd.f32 v13, v5;
	v4 =	vadd.f32 v7, v6;
	_ =	sdelay $0x1  }
0x11c: {  	v1 =	vadd.f32 v2, v1;
	v2 =	vadd.f32 v4, v3;
	_ =	sdelay $0x1  }
0x11d: {  	s23 =	sadd.s32 $0x40, s23;
	v1 =	vadd.f32 v2, v1  }
0x11e: {  	s26 =	sand.u32 $0xE00, s23;
	s24 =	sand.u32 $0x70, s25  }
0x11f: {  	s24 =	sor.u32 s24, s26;
	[tilespmem:s22+$0x12000] =	vst v1  }
0x120: {  	v1 =	vld [tilespmem:s24+$0xF100]  }
0x121: {  	v2 =	vld [tilespmem:s24+$0xFD00]  }
0x122: {  	v3 =	vld [tilespmem:s24+$0xC100]  }
0x123: {  	v4 =	vld [tilespmem:s24+$0xCD00]  }
0x124: {  	v5 =	vld [tilespmem:s24+$0x9100]  }
0x125: {  	v6 =	vld [tilespmem:s24+$0x9D00]  }
0x126: {  	v7 =	vld [tilespmem:s24+$0x6100]  }
0x127: {  	v8 =	vld [tilespmem:s24+$0x6D00]  }
.Ltmp10:
0x128: {  	v9 =	vld [tilespmem:s24+$0x3100];
	(pc) =	sbr.rel @p1 .LBB2_19-.Ltmp10, $4  }
0x129: {  	v10 =	vld [tilespmem:s24+$0x3D00]  }
0x12a: {  	s22 =	sshra.s32 s23, $0x2;
	v11 =	vld [tilespmem:s24+$0x100]  }
0x12b: {  	v12 =	vld [tilespmem:s22+$0x12000]  }
0x12c: {  	s25 =	sadd.s32 $0x10, s25;
	v13 =	vld [tilespmem:s24+$0xD00]  }
0x12d: {  	v14 =	vld [tilespmem:s24+$0x1900]  }
0x12e: {  	v15 =	vld [tilespmem:s24+$0x2500]  }
0x12f: {  	v16 =	vld [tilespmem:s24+$0x4900]  }
0x130: {  	v17 =	vld [tilespmem:s24+$0x5500]  }
0x131: {  	v18 =	vld [tilespmem:s24+$0x7900]  }
0x132: {  	v49 =	vld [tilespmem:s24+$0x8500];
	v11 =	vadd.f32 v11, v12;
	v48 =	vadd.f32 $0.0e+00, v13  }
0x133: {  	v19 =	vld [tilespmem:s24+$0xA900];
	v14 =	vadd.f32 $0.0e+00, v14;
	v15 =	vadd.f32 $0.0e+00, v15  }
0x134: {  	v50 =	vld [tilespmem:s24+$0xB500];
	v9 =	vadd.f32 v9, v11;
	v10 =	vadd.f32 v10, v48  }
0x135: {  	v53 =	vld [tilespmem:s24+$0xD900];
	v51 =	vadd.f32 v16, v14;
	v52 =	vadd.f32 v17, v15  }
0x136: {  	v54 =	vld [tilespmem:s24+$0xE500];
	v7 =	vadd.f32 v7, v9;
	v8 =	vadd.f32 v8, v10  }
0x137: {  	v57 =	vld [tilespmem:s24+$0x10900];
	v55 =	vadd.f32 v18, v51;
	v56 =	vadd.f32 v49, v52  }
0x138: {  	v58 =	vld [tilespmem:s24+$0x11500];
	v5 =	vadd.f32 v5, v7;
	v6 =	vadd.f32 v6, v8  }
0x139: {  	v59 =	vadd.f32 v19, v55;
	v60 =	vadd.f32 v50, v56  }
0x13a: {  	v3 =	vadd.f32 v3, v5;
	v4 =	vadd.f32 v4, v6  }
0x13b: {  	v61 =	vadd.f32 v53, v59;
	v62 =	vadd.f32 v54, v60  }
0x13c: {  	v1 =	vadd.f32 v1, v3;
	v2 =	vadd.f32 v2, v4  }
0x13d: {  	v3 =	vadd.f32 v57, v61;
	v63 =	vadd.f32 v58, v62;
	_ =	sdelay $0x1  }
.Ltmp11:
0x13e: {  	v1 =	vadd.f32 v2, v1;
	v2 =	vadd.f32 v63, v3;
	(pc) =	sbr.rel @!p0 .LBB2_24-.Ltmp11, $3  }
0x13f: {  	_ = 	snop  }
0x140: {  	v1 =	vadd.f32 v2, v1;
	_ =	sdelay $0x1  }
0x141: {  	[tilespmem:s22+$0x12000] =	vst v1  }
0x142: {  	s22 =	simm.s32 $0x80  }
0x143: {  	s23 =	simm.s32 $0x10;
	s25 =	sadd.s32 $0x0, s9;
	s24 =	simm.s32 $0x280  }
.LBB2_22:
0x144: {  	[tilespmem:s22], [sflag:$0x2] =	stream.linear.gather [hbm4b:s25+s2], $0x80, $0x38;
	[tilespmem:$0x12300] =	vst v63  }
0x145: {  	s25 =	smov.u32 s23;
	s22 =	smov.u32 s24;
	p1 =	sne.s32 s23, $0x8F0  }
.Ltmp12:
0x146: {  	s23 =	sadd.s32 $0x10, s23;
	(pc) =	sbr.rel @p1 .LBB2_22-.Ltmp12, $2  }
0x147: {  	_ =	sdelay $0x2  }
0x148: {  	s24 =	sadd.s32 $0x200, s24;
	s25 =	sadd.s32 s25, s9  }
0x149: {  	[tilespmem:s22], [sflag:$0x2] =	stream.linear.gather [hbm4b:s25+s2], $0x80, $0x38;
	[tilespmem:$0x12300] =	vst v63  }
.LBB2_24:
0x14a: {  	_ =	swait.ge [sflag:s16], $0x4800;
	s23 =	simm.s32 $0x0  }
0x14b: {  	[sflag:s16] =	ssyncset.done $0x0;
	s22 =	sand.u32 $0x70, s23;
	s24 =	sand.u32 $0xE00, s23  }
0x14c: {  	[sflag:s16] =	ssyncadd.s32 $0xFFFFB800;
	s24 =	sor.u32 s22, s24  }
0x14d: {  	v1 =	vld [tilespmem:s24+$0xF180]  }
0x14e: {  	v2 =	vld [tilespmem:s24+$0xFD80]  }
0x14f: {  	v3 =	vld [tilespmem:s24+$0xC180]  }
0x150: {  	v4 =	vld [tilespmem:s24+$0xCD80]  }
0x151: {  	v5 =	vld [tilespmem:s24+$0x9180]  }
0x152: {  	v6 =	vld [tilespmem:s24+$0x9D80]  }
0x153: {  	v7 =	vld [tilespmem:s24+$0x6180]  }
0x154: {  	v8 =	vld [tilespmem:s24+$0x6D80]  }
0x155: {  	v9 =	vld [tilespmem:s24+$0x3180]  }
0x156: {  	v10 =	vld [tilespmem:s24+$0x3D80]  }
0x157: {  	s22 =	simm.s32 $0x0;
	v11 =	vld [tilespmem:s24+$0x180]  }
0x158: {  	v12 =	vld [tilespmem:s22+$0x12000]  }
0x159: {  	s25 =	simm.s32 $0x10;
	v13 =	vld [tilespmem:s24+$0xD80]  }
.LBB2_25:
0x15a: {  	p1 =	sne.s32 s25, $0x2F0;
	v14 =	vld [tilespmem:s24+$0x1980]  }
0x15b: {  	v15 =	vld [tilespmem:s24+$0x2580]  }
0x15c: {  	v16 =	vld [tilespmem:s24+$0x4980]  }
0x15d: {  	v17 =	vld [tilespmem:s24+$0x5580]  }
0x15e: {  	v18 =	vld [tilespmem:s24+$0x7980]  }
0x15f: {  	v11 =	vadd.f32 v11, v12;
	v12 =	vadd.f32 $0.0e+00, v13;
	v13 =	vld [tilespmem:s24+$0x8580]  }
0x160: {  	v14 =	vadd.f32 $0.0e+00, v14;
	v15 =	vadd.f32 $0.0e+00, v15;
	v19 =	vld [tilespmem:s24+$0xA980]  }
0x161: {  	v9 =	vadd.f32 v9, v11;
	v10 =	vadd.f32 v10, v12;
	v11 =	vld [tilespmem:s24+$0xB580]  }
0x162: {  	v12 =	vadd.f32 v16, v14;
	v14 =	vadd.f32 v17, v15;
	v15 =	vld [tilespmem:s24+$0xD980]  }
0x163: {  	v7 =	vadd.f32 v7, v9;
	v8 =	vadd.f32 v8, v10;
	v9 =	vld [tilespmem:s24+$0xE580]  }
0x164: {  	v10 =	vadd.f32 v18, v12;
	v12 =	vadd.f32 v13, v14;
	v13 =	vld [tilespmem:s24+$0x10980]  }
0x165: {  	v5 =	vadd.f32 v5, v7;
	v6 =	vadd.f32 v6, v8;
	v7 =	vld [tilespmem:s24+$0x11580]  }
0x166: {  	v8 =	vadd.f32 v19, v10;
	v10 =	vadd.f32 v11, v12  }
0x167: {  	v3 =	vadd.f32 v3, v5;
	v4 =	vadd.f32 v4, v6  }
0x168: {  	v5 =	vadd.f32 v15, v8;
	v6 =	vadd.f32 v9, v10  }
0x169: {  	v1 =	vadd.f32 v1, v3;
	v2 =	vadd.f32 v2, v4  }
0x16a: {  	v3 =	vadd.f32 v13, v5;
	v4 =	vadd.f32 v7, v6;
	_ =	sdelay $0x1  }
0x16b: {  	v1 =	vadd.f32 v2, v1;
	v2 =	vadd.f32 v4, v3;
	_ =	sdelay $0x1  }
0x16c: {  	s23 =	sadd.s32 $0x40, s23;
	v1 =	vadd.f32 v2, v1  }
0x16d: {  	s26 =	sand.u32 $0xE00, s23;
	s24 =	sand.u32 $0x70, s25  }
0x16e: {  	s24 =	sor.u32 s24, s26;
	[tilespmem:s22+$0x12000] =	vst v1  }
0x16f: {  	v1 =	vld [tilespmem:s24+$0xF180]  }
0x170: {  	v2 =	vld [tilespmem:s24+$0xFD80]  }
0x171: {  	v3 =	vld [tilespmem:s24+$0xC180]  }
0x172: {  	v4 =	vld [tilespmem:s24+$0xCD80]  }
0x173: {  	v5 =	vld [tilespmem:s24+$0x9180]  }
0x174: {  	v6 =	vld [tilespmem:s24+$0x9D80]  }
0x175: {  	v7 =	vld [tilespmem:s24+$0x6180]  }
0x176: {  	v8 =	vld [tilespmem:s24+$0x6D80]  }
.Ltmp13:
0x177: {  	v9 =	vld [tilespmem:s24+$0x3180];
	(pc) =	sbr.rel @p1 .LBB2_25-.Ltmp13, $4  }
0x178: {  	v10 =	vld [tilespmem:s24+$0x3D80]  }
0x179: {  	s22 =	sshra.s32 s23, $0x2;
	v11 =	vld [tilespmem:s24+$0x180]  }
0x17a: {  	v12 =	vld [tilespmem:s22+$0x12000]  }
0x17b: {  	s25 =	sadd.s32 $0x10, s25;
	v13 =	vld [tilespmem:s24+$0xD80]  }
0x17c: {  	v14 =	vld [tilespmem:s24+$0x1980]  }
0x17d: {  	v15 =	vld [tilespmem:s24+$0x2580]  }
0x17e: {  	v16 =	vld [tilespmem:s24+$0x4980]  }
0x17f: {  	v17 =	vld [tilespmem:s24+$0x5580]  }
0x180: {  	v18 =	vld [tilespmem:s24+$0x7980]  }
0x181: {  	v49 =	vld [tilespmem:s24+$0x8580];
	v11 =	vadd.f32 v11, v12;
	v48 =	vadd.f32 $0.0e+00, v13  }
0x182: {  	v19 =	vld [tilespmem:s24+$0xA980];
	v14 =	vadd.f32 $0.0e+00, v14;
	v15 =	vadd.f32 $0.0e+00, v15  }
0x183: {  	v50 =	vld [tilespmem:s24+$0xB580];
	v9 =	vadd.f32 v9, v11;
	v10 =	vadd.f32 v10, v48  }
0x184: {  	v53 =	vld [tilespmem:s24+$0xD980];
	v51 =	vadd.f32 v16, v14;
	v52 =	vadd.f32 v17, v15  }
0x185: {  	v54 =	vld [tilespmem:s24+$0xE580];
	v7 =	vadd.f32 v7, v9;
	v8 =	vadd.f32 v8, v10  }
0x186: {  	v57 =	vld [tilespmem:s24+$0x10980];
	v55 =	vadd.f32 v18, v51;
	v56 =	vadd.f32 v49, v52  }
0x187: {  	v58 =	vld [tilespmem:s24+$0x11580];
	v5 =	vadd.f32 v5, v7;
	v6 =	vadd.f32 v6, v8  }
0x188: {  	v59 =	vadd.f32 v19, v55;
	v60 =	vadd.f32 v50, v56  }
0x189: {  	v3 =	vadd.f32 v3, v5;
	v4 =	vadd.f32 v4, v6  }
0x18a: {  	v61 =	vadd.f32 v53, v59;
	v62 =	vadd.f32 v54, v60  }
0x18b: {  	v1 =	vadd.f32 v1, v3;
	v2 =	vadd.f32 v2, v4  }
0x18c: {  	v3 =	vadd.f32 v57, v61;
	v63 =	vadd.f32 v58, v62;
	_ =	sdelay $0x1  }
.Ltmp14:
0x18d: {  	v1 =	vadd.f32 v2, v1;
	v2 =	vadd.f32 v63, v3;
	(pc) =	sbr.rel @!p0 .LBB2_30-.Ltmp14, $3  }
0x18e: {  	_ = 	snop  }
0x18f: {  	v1 =	vadd.f32 v2, v1;
	_ =	sdelay $0x1  }
0x190: {  	[tilespmem:s22+$0x12000] =	vst v1  }
0x191: {  	s22 =	simm.s32 $0x0;
	s23 =	simm.s32 $0x100  }
.LBB2_28:
0x192: {  	p0 =	seq.s32 s22, $0x8F0  }
.Ltmp15:
0x193: {  	_ = 	snop;
	(pc) =	sbr.rel @!p0 .LBB2_28-.Ltmp15, $4  }
0x194: {  	_ = 	snop  }
0x195: {  	s24 =	sadd.s32 s22, s10  }
0x196: {  	[tilespmem:s23], [sflag:$0x3] =	stream.linear.gather [hbm4b:s24+s2], $0x80, $0x38;
	[tilespmem:$0x12300] =	vst v63  }
0x197: {  	s22 =	sadd.s32 $0x10, s22;
	s23 =	sadd.s32 $0x200, s23  }
.Ltmp16:
0x198: {  	(pc) =	sbr.rel .LBB2_8-.Ltmp16, $2  }
0x199: {  	_ =	sdelay $0x2  }
0x19a: {  	s22 =	simm.s32 $0x12000;
	p0 =	por $0x0, $0x0  }
.LBB2_31:
0x19b: {  	_ =	sfence.sel $0x180000  }
0x19c: {  	[bflag:$0x0] =	sbarrier.arrive $0xFFFF  }
0x19d: {  	p0 =	sne.s32 s0, $0x0;
	_ =	strace $0x90000047  }
0x19e: {  	s0 =	sadd.s32 @!p0 $0x100000, s1;
	[bflag:$0x2] =	sbarrier.arrive $0xFFFF  }
0x19f: {  	[sflag:s0] =	ssyncadd.tile.s32 @!p0 $0x1;
	_ =	shalt  }
.Lfunc_end2:
_tile_overlayer_lowered:
.L_overlay_start_2:
0x1a0: {  	(tag) =	ssettag $0x2  }
0x1a1: {  	s0 =	rddreg [dreg:$0x0];
	s2 =	stileid.u32  }
0x1a2: {  	s1 =	rddreg [dreg:$0x1];
	p0 =	sne.s32 s2, $0x0  }
0x1a3: {  	s3 =	rddreg [dreg:$0x2];
	[bflag:$0x3] =	sbarrier.arrive $0xFFFF;
	s2 =	simm.s32 @!p0 $0x1C05  }
0x1a4: {  	[timem:s3], [sflag:s2] =	dma.local @!p0 [hbm:s0], s1  }
0x1a5: {  	s0 =	simm.s32 @!p0 $0x5  }
0x1a6: {  	_ =	swait.ge @!p0 [sflag:s0], s1  }
0x1a7: {  	s1 =	ssub.s32 @!p0 $0x0, s1;
	[sflag:s0] =	ssyncset.done @!p0 $0x0  }
0x1a8: {  	[sflag:s0] =	ssyncadd.s32 @!p0 s1  }
0x1a9: {  	[bflag:$0x3] =	sbarrier.arrive $0xFFFF  }
0x1aa: {  	_ =	shalt  }

</sc_bundles>
